<compile_context>
chip_gen: v7x
topology: tpu7x:2x2x1
jax: 0.10.2.dev20260603
libtpu: 0.0.44.dev20260713+nightly
codegen_flags: <defaults>
</compile_context>

<pallas_src>
import jax
import jax.numpy as jnp
from jax import lax
from jax.experimental import pallas as pl
from jax.experimental.pallas import tpu as pltpu
from jax.experimental.pallas import tpu_sc as plsc

D = 8
KD = 8
FEAT_DIM = 1024
HIDDEN = 512
N_TOKENS = 4096
N_GLOBAL = D * KD
ZPAD = 128
B = 1024
NB = (N_TOKENS + D * B) // B
NSLOTS = NB * B
ROWS = 32
NW = 32
TPW = N_TOKENS // NW


def _route_kernel(dom_ref, slot_ref, meta_ref):
    dom = dom_ref[...]
    r128 = lax.broadcasted_iota(jnp.int32, (128, 128), 0)
    c128 = lax.broadcasted_iota(jnp.int32, (128, 128), 1)
    upper = jnp.where(r128 < c128, 1.0, 0.0)
    r32 = lax.broadcasted_iota(jnp.int32, (ROWS, ROWS), 0)
    c32 = lax.broadcasted_iota(jnp.int32, (ROWS, ROWS), 1)
    lower = jnp.where(c32 < r32, 1.0, 0.0)
    slot = jnp.zeros(dom.shape, jnp.int32)
    cum = jnp.int32(0)
    cums = []
    for d in range(D):
        oh = jnp.where(dom == d, 1.0, 0.0)
        rowpref = jnp.dot(oh, upper, preferred_element_type=jnp.float32)
        rowtot = jnp.sum(oh, axis=1, keepdims=True)
        colpref = jnp.dot(lower, rowtot, preferred_element_type=jnp.float32)
        rank = (rowpref + colpref).astype(jnp.int32)
        cnt = jnp.sum(rowtot).astype(jnp.int32)
        padded = ((cnt + B - 1) // B) * B
        slot = slot + jnp.where(dom == d, cum + rank, 0)
        cum = cum + padded
        cums.append(cum)
    slot_ref[...] = slot
    lane8 = lax.broadcasted_iota(jnp.int32, (8, 128), 1)
    row8 = lax.broadcasted_iota(jnp.int32, (8, 128), 0)
    nact = cums[D - 1] // B
    eff = jnp.minimum(lane8, nact - 1)
    bstart = jnp.minimum(lane8 * B, cums[D - 1] - B)
    bd = jnp.zeros((8, 128), jnp.int32)
    for d in range(D):
        bd = bd + jnp.where(bstart >= cums[d], 1, 0)
    bd = jnp.minimum(bd, D - 1)
    active = jnp.where((lane8 * B < cums[D - 1]) & (lane8 < NB), 1, 0)
    meta_ref[...] = jnp.where(
        row8 == 0, bd,
        jnp.where(row8 == 1, active, jnp.where(row8 == 2, eff, 0)))


def _route(dom):
    return pl.pallas_call(
        _route_kernel,
        out_shape=(jax.ShapeDtypeStruct((ROWS, 128), jnp.int32),
                   jax.ShapeDtypeStruct((8, 128), jnp.int32)),
    )(dom)


_FC = 32
_NBUF = 3


def _sc_dispatch_body(feats_hbm, z_hbm, slot4_hbm, slot3_hbm, xs_out, zs_out,
                      idx4, zidx, fb0, fb1, fb2, zbuf,
                      fsem0, fsem1, fsem2, zsem):
    wid = lax.axis_index("s") * 2 + lax.axis_index("c")
    base = wid * TPW
    pltpu.sync_copy(slot4_hbm.at[wid], idx4)
    pltpu.sync_copy(slot3_hbm.at[wid], zidx)
    pltpu.sync_copy(z_hbm.at[pl.ds(base, TPW)], zbuf)
    zcp = pltpu.async_copy(zbuf, zs_out.at[zidx.at[0]], zsem)
    fbufs = (fb0, fb1, fb2)
    sems = (fsem0, fsem1, fsem2)
    copies = [None] * _NBUF
    for c in range(TPW // _FC):
        k = c % _NBUF
        if copies[k] is not None:
            copies[k].wait()
        pltpu.sync_copy(feats_hbm.at[pl.ds(base + c * _FC, _FC)], fbufs[k])
        copies[k] = pltpu.async_copy(fbufs[k], xs_out.at[idx4.at[c]], sems[k])
    for k in range(_NBUF):
        copies[k].wait()
    zcp.wait()


def _sc_combine_body(dzs_hbm, slot2_hbm, out_hbm, idx_v, buf, sem):
    wid = lax.axis_index("s") * 2 + lax.axis_index("c")
    base = wid * TPW
    pltpu.sync_copy(slot2_hbm.at[wid], idx_v)
    pltpu.async_copy(dzs_hbm.at[idx_v], buf, sem).wait()
    pltpu.sync_copy(buf, out_hbm.at[pl.ds(base, TPW)])


def _dispatch(feats, z, slot4, slot3):
    mesh = plsc.VectorSubcoreMesh(core_axis_name="c", subcore_axis_name="s")
    call = pl.kernel(
        _sc_dispatch_body,
        mesh=mesh,
        out_type=(jax.ShapeDtypeStruct((NSLOTS, FEAT_DIM), jnp.float32),
                  jax.ShapeDtypeStruct((NSLOTS, ZPAD), jnp.float32)),
        scratch_types=[
            pltpu.VMEM((TPW // _FC, _FC), jnp.int32),
            pltpu.VMEM((1, TPW), jnp.int32),
            pltpu.VMEM((_FC, FEAT_DIM), jnp.float32),
            pltpu.VMEM((_FC, FEAT_DIM), jnp.float32),
            pltpu.VMEM((_FC, FEAT_DIM), jnp.float32),
            pltpu.VMEM((TPW, ZPAD), jnp.float32),
            pltpu.SemaphoreType.DMA,
            pltpu.SemaphoreType.DMA,
            pltpu.SemaphoreType.DMA,
            pltpu.SemaphoreType.DMA,
        ],
    )
    return call(feats, z, slot4, slot3)


def _combine(dzs, slot2):
    mesh = plsc.VectorSubcoreMesh(core_axis_name="c", subcore_axis_name="s")
    call = pl.kernel(
        _sc_combine_body,
        mesh=mesh,
        out_type=jax.ShapeDtypeStruct((N_TOKENS, ZPAD), jnp.float32),
        scratch_types=[
            pltpu.VMEM((TPW,), jnp.int32),
            pltpu.VMEM((TPW, ZPAD), jnp.float32),
            pltpu.SemaphoreType.DMA,
        ],
    )
    return call(dzs, slot2)


def _conf_features(z, d):
    lane = lax.broadcasted_iota(jnp.int32, z.shape, 1)
    gmask = (lane // KD) == d
    neg_inf = jnp.float32(-jnp.inf)
    zm = jnp.where(gmask, z, neg_inf)
    m = jnp.max(zm, axis=1, keepdims=True)
    e = jnp.where(gmask, jnp.exp(zm - m), 0.0)
    s = jnp.sum(e, axis=1, keepdims=True)
    p = e / s
    p_max = jnp.max(p, axis=1, keepdims=True)
    logp = jnp.log(jnp.maximum(p, 1e-12))
    ent = -jnp.sum(jnp.where(gmask, p * logp, 0.0), axis=1, keepdims=True)
    is_max = jnp.where(gmask & (p == p_max), 1.0, 0.0)
    n_max = jnp.sum(is_max, axis=1, keepdims=True)
    m2 = jnp.max(jnp.where(gmask & (p != p_max), p, neg_inf), axis=1,
                 keepdims=True)
    margin = jnp.where(n_max > 1, 0.0, p_max - m2)
    return p_max, ent, margin


def _mlp_kernel(bd_ref, act_ref, eff_ref, xs_ref, zs_ref, w1_ref, b1_ref,
                w2_ref, b2_ref, alpha_ref, out_ref):
    i = pl.program_id(0)
    d = bd_ref[i]

    @pl.when(act_ref[i] == 1)
    def _():
        z = zs_ref[...]
        p_max, ent, margin = _conf_features(z, d)
        w1 = w1_ref[0]
        acc = jnp.dot(xs_ref[...].astype(jnp.bfloat16),
                      w1[:FEAT_DIM, :].astype(jnp.bfloat16),
                      preferred_element_type=jnp.float32)
        acc += (p_max * w1[FEAT_DIM:FEAT_DIM + 1, :]
                + ent * w1[FEAT_DIM + 1:FEAT_DIM + 2, :]
                + margin * w1[FEAT_DIM + 2:FEAT_DIM + 3, :])
        h = jnp.maximum(acc + b1_ref[0], 0.0).astype(jnp.bfloat16)
        dz = jnp.dot(h, w2_ref[0], preferred_element_type=jnp.float32)
        out_ref[...] = z + (dz + b2_ref[0]) * alpha_ref[0, 0, 0]


def _mlp(bd, act, eff, xs, zs, w1, b1r, w2big, b2big, alphar):
    grid_spec = pltpu.PrefetchScalarGridSpec(
        num_scalar_prefetch=3,
        grid=(NB,),
        in_specs=[
            pl.BlockSpec((B, FEAT_DIM), lambda i, bd, act, eff: (eff[i], 0)),
            pl.BlockSpec((B, ZPAD), lambda i, bd, act, eff: (eff[i], 0)),
            pl.BlockSpec((1, FEAT_DIM + 3, HIDDEN),
                         lambda i, bd, act, eff: (bd[i], 0, 0)),
            pl.BlockSpec((1, 1, HIDDEN), lambda i, bd, act, eff: (bd[i], 0, 0)),
            pl.BlockSpec((1, HIDDEN, ZPAD),
                         lambda i, bd, act, eff: (bd[i], 0, 0)),
            pl.BlockSpec((1, 1, ZPAD), lambda i, bd, act, eff: (bd[i], 0, 0)),
            pl.BlockSpec((1, 1, 1), lambda i, bd, act, eff: (bd[i], 0, 0)),
        ],
        out_specs=pl.BlockSpec((B, ZPAD), lambda i, bd, act, eff: (eff[i], 0)),
    )
    return pl.pallas_call(
        _mlp_kernel,
        grid_spec=grid_spec,
        out_shape=jax.ShapeDtypeStruct((NSLOTS, ZPAD), jnp.float32),
    )(bd, act, eff, xs, zs, w1, b1r, w2big, b2big, alphar)


@jax.jit
def kernel(z_base_global, domain_ids, feats, W1, b1, W2, b2, alphas):
    dom = domain_ids.astype(jnp.int32).reshape(ROWS, 128)
    slot, meta = _route(dom)
    slot_flat = slot.reshape(-1)
    slot4 = slot_flat.reshape(NW, TPW // _FC, _FC)
    slot3 = slot_flat.reshape(NW, 1, TPW)
    slot2 = slot_flat.reshape(NW, TPW)
    bd = meta[0, :NB]
    act = meta[1, :NB]
    eff = meta[2, :NB]

    z128 = jnp.pad(z_base_global, ((0, 0), (0, ZPAD - N_GLOBAL)))
    xs, zs = _dispatch(feats, z128, slot4, slot3)

    b1r = b1.reshape(D, 1, HIDDEN)
    eye = jnp.eye(D, dtype=W2.dtype)
    w2big = (W2[:, :, None, :] * eye[:, None, :, None]).reshape(
        D, HIDDEN, N_GLOBAL)
    w2big = jnp.pad(w2big, ((0, 0), (0, 0), (0, ZPAD - N_GLOBAL)))
    w2big = w2big.astype(jnp.bfloat16)
    b2big = (b2[:, None, :] * eye[:, :, None]).reshape(D, 1, N_GLOBAL)
    b2big = jnp.pad(b2big, ((0, 0), (0, 0), (0, ZPAD - N_GLOBAL)))
    alphar = alphas.reshape(D, 1, 1)

    dzs = _mlp(bd, act, eff, xs, zs, W1, b1r, w2big, b2big, alphar)
    return _combine(dzs, slot2)[:, :N_GLOBAL]

# --- scband reference (transcript-rebuilt; emitter-appended) ---
"""Pipeline reference for scband-residual-logit-adapter-11166914970543 (READ-ONLY COPY).

The authoritative reference and input builder live on the scoring server;
editing this copy changes nothing except your own understanding.
"""

import jax, jax.numpy as jnp
import numpy as np

D = 8
KD = 8
FEAT_DIM = 1024
HIDDEN = 512
N_TOKENS = 4096
N_GLOBAL = D * KD
COLS = jnp.arange(N_GLOBAL, dtype=jnp.int32).reshape(D, KD)


def setup_inputs(seed: int = 0) -> dict:
    key = jax.random.key(seed)
    ks = jax.random.split(key, 8)
    z_base_global = jax.random.normal(ks[0], (N_TOKENS, N_GLOBAL), dtype=jnp.float32)
    domain_ids = jax.random.randint(ks[1], (N_TOKENS,), 0, D, dtype=jnp.int64)
    feats = jax.random.normal(ks[2], (N_TOKENS, FEAT_DIM), dtype=jnp.float32)
    W1 = jax.random.normal(ks[3], (D, FEAT_DIM + 3, HIDDEN), dtype=jnp.float32) * 0.02
    b1 = jnp.zeros((D, HIDDEN), dtype=jnp.float32)
    W2 = jax.random.normal(ks[4], (D, HIDDEN, KD), dtype=jnp.float32) * 0.02
    b2 = jnp.zeros((D, KD), dtype=jnp.float32)
    alphas = jnp.ones((D,), dtype=jnp.float32)
    return {"z_base_global": z_base_global, "domain_ids": domain_ids, "feats": feats,
            "W1": W1, "b1": b1, "W2": W2, "b2": b2, "alphas": alphas}


def _get_conf_from_local_logits(local_logits):
    # mirrors torch get_conf_from_local_logits (computed under no_grad)
    p = jax.nn.softmax(local_logits, axis=-1)
    p_max = jnp.max(p, axis=-1, keepdims=True)
    entropy = -jnp.sum(p * jnp.log(jnp.clip(p, 1e-12, None)), axis=-1, keepdims=True)
    top2 = jax.lax.top_k(p, 2)[0]
    margin = top2[:, :1] - top2[:, 1:2]
    return jnp.concatenate([p_max, entropy, margin], axis=-1)


def reference(z_base_global, domain_ids, feats, W1, b1, W2, b2, alphas):
    # train_mode=False -> no modality dropout.
    # Per-row domain partition: each row touched by exactly one domain, so using
    # z_base_global for conf features equals the torch in-place z_out reads.
    z_out = z_base_global
    for d in range(D):
        cols = COLS[d]
        local_logits = z_base_global[:, cols]
        c = jax.lax.stop_gradient(_get_conf_from_local_logits(local_logits))
        x = jnp.concatenate([feats, c], axis=-1)
        h = jax.nn.relu(x @ W1[d] + b1[d])
        dz_local = (h @ W2[d] + b2[d]) * alphas[d]
        mask = (domain_ids == d).astype(z_base_global.dtype)[:, None]
        z_out = z_out.at[:, cols].add(dz_local * mask)
    return z_out

if __name__ == "__main__":
    import jax
    _d = setup_inputs()
    print(jax.jit(kernel)(*tuple(_d.values())))

</pallas_src>

<mosaic_0001>
#map = affine_map<(d0, d1) -> (0, 0)>
#map1 = affine_map<(d0, d1) -> (0, 0, 0)>
module attributes {stable_mosaic.version = 14 : i64} {
  func.func @_sc_dispatch_body(%arg0: i32, %arg1: i32, %arg2: memref<4096x1024xf32, #tpu.memory_space<hbm>>, %arg3: memref<4096x128xf32, #tpu.memory_space<hbm>>, %arg4: memref<32x4x32xi32, #tpu.memory_space<hbm>>, %arg5: memref<32x1x128xi32, #tpu.memory_space<hbm>>, %arg6: memref<12288x1024xf32, #tpu.memory_space<hbm>>, %arg7: memref<12288x128xf32, #tpu.memory_space<hbm>>, %arg8: memref<4x32xi32, #tpu.memory_space<vmem>>, %arg9: memref<1x128xi32, #tpu.memory_space<vmem>>, %arg10: memref<32x1024xf32, #tpu.memory_space<vmem>>, %arg11: memref<32x1024xf32, #tpu.memory_space<vmem>>, %arg12: memref<32x1024xf32, #tpu.memory_space<vmem>>, %arg13: memref<128x128xf32, #tpu.memory_space<vmem>>, %arg14: memref<!tpu.dma_semaphore, #tpu.memory_space<semaphore_mem>>, %arg15: memref<!tpu.dma_semaphore, #tpu.memory_space<semaphore_mem>>, %arg16: memref<!tpu.dma_semaphore, #tpu.memory_space<semaphore_mem>>, %arg17: memref<!tpu.dma_semaphore, #tpu.memory_space<semaphore_mem>>) attributes {dimension_semantics = [#tpu.dimension_semantics<core_parallel>, #tpu.dimension_semantics<subcore_parallel>], iteration_bounds = array<i64: 2, 16>, scalar_prefetch = 0 : i64, scratch_operands = 10 : i64, tpu.core_type = #tpu.core_type<sc_vector_subcore>, window_params = [{transform_indices = #map}, {transform_indices = #map}, {transform_indices = #map1}, {transform_indices = #map1}, {transform_indices = #map}, {transform_indices = #map}]} {
    %mul3A = arith.constant 2 : i32
    %mul3A_0 = arith.muli %arg1, %mul3A : i32
    %add3A = arith.addi %mul3A_0, %arg0 : i32
    %mul3A_1 = arith.constant 128 : i32
    %mul3A_2 = arith.muli %add3A, %mul3A_1 : i32
    "tpu.region"() ({
      %run_scoped3A = tpu.sem_alloc : memref<!tpu.dma_semaphore, #tpu.memory_space<semaphore_mem>>
      %dma_start3A_79 = arith.constant 0 : i32
      %dma_start3A_80 = arith.constant 0 : i32
      %dma_start3A_81 = tpu.memref_slice %arg4[%add3A, %dma_start3A_79, %dma_start3A_80] : memref<32x4x32xi32, #tpu.memory_space<hbm>> -> memref<1x4x32xi32, #tpu.memory_space<hbm>>
      %dma_start3A_82 = tpu.memref_squeeze %dma_start3A_81 : memref<1x4x32xi32, #tpu.memory_space<hbm>> -> memref<4x32xi32, #tpu.memory_space<hbm>>
      %dma_start3A_83 = arith.constant 0 : i32
      %dma_start3A_84 = arith.constant 0 : i32
      %dma_start3A_85 = tpu.memref_slice %arg4[%add3A, %dma_start3A_83, %dma_start3A_84] : memref<32x4x32xi32, #tpu.memory_space<hbm>> -> memref<1x4x32xi32, #tpu.memory_space<hbm>>
      %dma_start3A_86 = tpu.memref_squeeze %dma_start3A_85 : memref<1x4x32xi32, #tpu.memory_space<hbm>> -> memref<4x32xi32, #tpu.memory_space<hbm>>
      tpu.enqueue_dma source(%dma_start3A_86 : memref<4x32xi32, #tpu.memory_space<hbm>>) target(%arg8 : memref<4x32xi32, #tpu.memory_space<vmem>>) target_semaphore(%run_scoped3A : memref<!tpu.dma_semaphore, #tpu.memory_space<semaphore_mem>>)
      %dma_wait3A_87 = arith.constant 0 : i32
      %dma_wait3A_88 = arith.constant 0 : i32
      %dma_wait3A_89 = tpu.memref_slice %arg4[%add3A, %dma_wait3A_87, %dma_wait3A_88] : memref<32x4x32xi32, #tpu.memory_space<hbm>> -> memref<1x4x32xi32, #tpu.memory_space<hbm>>
      %dma_wait3A_90 = tpu.memref_squeeze %dma_wait3A_89 : memref<1x4x32xi32, #tpu.memory_space<hbm>> -> memref<4x32xi32, #tpu.memory_space<hbm>>
      %dma_wait3A_91 = arith.constant 0 : i32
      %dma_wait3A_92 = arith.constant 0 : i32
      %dma_wait3A_93 = tpu.memref_slice %arg4[%add3A, %dma_wait3A_91, %dma_wait3A_92] : memref<32x4x32xi32, #tpu.memory_space<hbm>> -> memref<1x4x32xi32, #tpu.memory_space<hbm>>
      %dma_wait3A_94 = tpu.memref_squeeze %dma_wait3A_93 : memref<1x4x32xi32, #tpu.memory_space<hbm>> -> memref<4x32xi32, #tpu.memory_space<hbm>>
      tpu.wait_dma2 semaphore(%run_scoped3A : memref<!tpu.dma_semaphore, #tpu.memory_space<semaphore_mem>>) src(%dma_wait3A_94 : memref<4x32xi32, #tpu.memory_space<hbm>>) dst(%arg8 : memref<4x32xi32, #tpu.memory_space<vmem>>)
      tpu.yield
    }) : () -> ()
    "tpu.region"() ({
      %run_scoped3A = tpu.sem_alloc : memref<!tpu.dma_semaphore, #tpu.memory_space<semaphore_mem>>
      %dma_start3A_79 = arith.constant 0 : i32
      %dma_start3A_80 = arith.constant 0 : i32
      %dma_start3A_81 = tpu.memref_slice %arg5[%add3A, %dma_start3A_79, %dma_start3A_80] : memref<32x1x128xi32, #tpu.memory_space<hbm>> -> memref<1x1x128xi32, #tpu.memory_space<hbm>>
      %dma_start3A_82 = tpu.memref_squeeze %dma_start3A_81 : memref<1x1x128xi32, #tpu.memory_space<hbm>> -> memref<1x128xi32, #tpu.memory_space<hbm>>
      %dma_start3A_83 = arith.constant 0 : i32
      %dma_start3A_84 = arith.constant 0 : i32
      %dma_start3A_85 = tpu.memref_slice %arg5[%add3A, %dma_start3A_83, %dma_start3A_84] : memref<32x1x128xi32, #tpu.memory_space<hbm>> -> memref<1x1x128xi32, #tpu.memory_space<hbm>>
      %dma_start3A_86 = tpu.memref_squeeze %dma_start3A_85 : memref<1x1x128xi32, #tpu.memory_space<hbm>> -> memref<1x128xi32, #tpu.memory_space<hbm>>
      tpu.enqueue_dma source(%dma_start3A_86 : memref<1x128xi32, #tpu.memory_space<hbm>>) target(%arg9 : memref<1x128xi32, #tpu.memory_space<vmem>>) target_semaphore(%run_scoped3A : memref<!tpu.dma_semaphore, #tpu.memory_space<semaphore_mem>>)
      %dma_wait3A_87 = arith.constant 0 : i32
      %dma_wait3A_88 = arith.constant 0 : i32
      %dma_wait3A_89 = tpu.memref_slice %arg5[%add3A, %dma_wait3A_87, %dma_wait3A_88] : memref<32x1x128xi32, #tpu.memory_space<hbm>> -> memref<1x1x128xi32, #tpu.memory_space<hbm>>
      %dma_wait3A_90 = tpu.memref_squeeze %dma_wait3A_89 : memref<1x1x128xi32, #tpu.memory_space<hbm>> -> memref<1x128xi32, #tpu.memory_space<hbm>>
      %dma_wait3A_91 = arith.constant 0 : i32
      %dma_wait3A_92 = arith.constant 0 : i32
      %dma_wait3A_93 = tpu.memref_slice %arg5[%add3A, %dma_wait3A_91, %dma_wait3A_92] : memref<32x1x128xi32, #tpu.memory_space<hbm>> -> memref<1x1x128xi32, #tpu.memory_space<hbm>>
      %dma_wait3A_94 = tpu.memref_squeeze %dma_wait3A_93 : memref<1x1x128xi32, #tpu.memory_space<hbm>> -> memref<1x128xi32, #tpu.memory_space<hbm>>
      tpu.wait_dma2 semaphore(%run_scoped3A : memref<!tpu.dma_semaphore, #tpu.memory_space<semaphore_mem>>) src(%dma_wait3A_94 : memref<1x128xi32, #tpu.memory_space<hbm>>) dst(%arg9 : memref<1x128xi32, #tpu.memory_space<vmem>>)
      tpu.yield
    }) : () -> ()
    "tpu.region"() ({
      %run_scoped3A = tpu.sem_alloc : memref<!tpu.dma_semaphore, #tpu.memory_space<semaphore_mem>>
      %dma_start3A_79 = arith.constant 0 : i32
      %dma_start3A_80 = tpu.memref_slice %arg3[%mul3A_2, %dma_start3A_79] : memref<4096x128xf32, #tpu.memory_space<hbm>> -> memref<128x128xf32, #tpu.memory_space<hbm>>
      %dma_start3A_81 = arith.constant 0 : i32
      %dma_start3A_82 = tpu.memref_slice %arg3[%mul3A_2, %dma_start3A_81] : memref<4096x128xf32, #tpu.memory_space<hbm>> -> memref<128x128xf32, #tpu.memory_space<hbm>>
      tpu.enqueue_dma source(%dma_start3A_82 : memref<128x128xf32, #tpu.memory_space<hbm>>) target(%arg13 : memref<128x128xf32, #tpu.memory_space<vmem>>) target_semaphore(%run_scoped3A : memref<!tpu.dma_semaphore, #tpu.memory_space<semaphore_mem>>)
      %dma_wait3A_83 = arith.constant 0 : i32
      %dma_wait3A_84 = tpu.memref_slice %arg3[%mul3A_2, %dma_wait3A_83] : memref<4096x128xf32, #tpu.memory_space<hbm>> -> memref<128x128xf32, #tpu.memory_space<hbm>>
      %dma_wait3A_85 = arith.constant 0 : i32
      %dma_wait3A_86 = tpu.memref_slice %arg3[%mul3A_2, %dma_wait3A_85] : memref<4096x128xf32, #tpu.memory_space<hbm>> -> memref<128x128xf32, #tpu.memory_space<hbm>>
      tpu.wait_dma2 semaphore(%run_scoped3A : memref<!tpu.dma_semaphore, #tpu.memory_space<semaphore_mem>>) src(%dma_wait3A_86 : memref<128x128xf32, #tpu.memory_space<hbm>>) dst(%arg13 : memref<128x128xf32, #tpu.memory_space<vmem>>)
      tpu.yield
    }) : () -> ()
    %dma_start3A = arith.constant 0 : i32
    %dma_start3A_3 = arith.constant 0 : i32
    %dma_start3A_4 = tpu.memref_slice %arg9[%dma_start3A, %dma_start3A_3] : memref<1x128xi32, #tpu.memory_space<vmem>> -> memref<1x128xi32, #tpu.memory_space<vmem>>
    %dma_start3A_5 = tpu.memref_squeeze %dma_start3A_4 : memref<1x128xi32, #tpu.memory_space<vmem>> -> memref<128xi32, #tpu.memory_space<vmem>>
    %dma_start3A_6 = arith.constant 0 : i32
    %dma_start3A_7 = arith.constant 0 : i32
    %dma_start3A_8 = tpu.memref_slice %arg7[%dma_start3A_6, %dma_start3A_7] : memref<12288x128xf32, #tpu.memory_space<hbm>> -> memref<12288x128xf32, #tpu.memory_space<hbm>>
    tpu.enqueue_indirect_dma source(%arg13 : memref<128x128xf32, #tpu.memory_space<vmem>>) target(%dma_start3A_8 : memref<12288x128xf32, #tpu.memory_space<hbm>>) offsets(%dma_start3A_5 : memref<128xi32, #tpu.memory_space<vmem>>) semaphore(%arg17 : memref<!tpu.dma_semaphore, #tpu.memory_space<semaphore_mem>>)
    %add3A_9 = arith.constant 0 : i32
    %add3A_10 = arith.addi %mul3A_2, %add3A_9 : i32
    "tpu.region"() ({
      %run_scoped3A = tpu.sem_alloc : memref<!tpu.dma_semaphore, #tpu.memory_space<semaphore_mem>>
      %dma_start3A_79 = arith.constant 0 : i32
      %dma_start3A_80 = tpu.memref_slice %arg2[%add3A_10, %dma_start3A_79] : memref<4096x1024xf32, #tpu.memory_space<hbm>> -> memref<32x1024xf32, #tpu.memory_space<hbm>>
      %dma_start3A_81 = arith.constant 0 : i32
      %dma_start3A_82 = tpu.memref_slice %arg2[%add3A_10, %dma_start3A_81] : memref<4096x1024xf32, #tpu.memory_space<hbm>> -> memref<32x1024xf32, #tpu.memory_space<hbm>>
      tpu.enqueue_dma source(%dma_start3A_82 : memref<32x1024xf32, #tpu.memory_space<hbm>>) target(%arg10 : memref<32x1024xf32, #tpu.memory_space<vmem>>) target_semaphore(%run_scoped3A : memref<!tpu.dma_semaphore, #tpu.memory_space<semaphore_mem>>)
      %dma_wait3A_83 = arith.constant 0 : i32
      %dma_wait3A_84 = tpu.memref_slice %arg2[%add3A_10, %dma_wait3A_83] : memref<4096x1024xf32, #tpu.memory_space<hbm>> -> memref<32x1024xf32, #tpu.memory_space<hbm>>
      %dma_wait3A_85 = arith.constant 0 : i32
      %dma_wait3A_86 = tpu.memref_slice %arg2[%add3A_10, %dma_wait3A_85] : memref<4096x1024xf32, #tpu.memory_space<hbm>> -> memref<32x1024xf32, #tpu.memory_space<hbm>>
      tpu.wait_dma2 semaphore(%run_scoped3A : memref<!tpu.dma_semaphore, #tpu.memory_space<semaphore_mem>>) src(%dma_wait3A_86 : memref<32x1024xf32, #tpu.memory_space<hbm>>) dst(%arg10 : memref<32x1024xf32, #tpu.memory_space<vmem>>)
      tpu.yield
    }) : () -> ()
    %dma_start3A_11 = arith.constant 0 : i32
    %dma_start3A_12 = arith.constant 0 : i32
    %dma_start3A_13 = tpu.memref_slice %arg8[%dma_start3A_11, %dma_start3A_12] : memref<4x32xi32, #tpu.memory_space<vmem>> -> memref<1x32xi32, #tpu.memory_space<vmem>>
    %dma_start3A_14 = tpu.memref_squeeze %dma_start3A_13 : memref<1x32xi32, #tpu.memory_space<vmem>> -> memref<32xi32, #tpu.memory_space<vmem>>
    %dma_start3A_15 = arith.constant 0 : i32
    %dma_start3A_16 = arith.constant 0 : i32
    %dma_start3A_17 = tpu.memref_slice %arg6[%dma_start3A_15, %dma_start3A_16] : memref<12288x1024xf32, #tpu.memory_space<hbm>> -> memref<12288x1024xf32, #tpu.memory_space<hbm>>
    tpu.enqueue_indirect_dma source(%arg10 : memref<32x1024xf32, #tpu.memory_space<vmem>>) target(%dma_start3A_17 : memref<12288x1024xf32, #tpu.memory_space<hbm>>) offsets(%dma_start3A_14 : memref<32xi32, #tpu.memory_space<vmem>>) semaphore(%arg14 : memref<!tpu.dma_semaphore, #tpu.memory_space<semaphore_mem>>)
    %add3A_18 = arith.constant 32 : i32
    %add3A_19 = arith.addi %mul3A_2, %add3A_18 : i32
    "tpu.region"() ({
      %run_scoped3A = tpu.sem_alloc : memref<!tpu.dma_semaphore, #tpu.memory_space<semaphore_mem>>
      %dma_start3A_79 = arith.constant 0 : i32
      %dma_start3A_80 = tpu.memref_slice %arg2[%add3A_19, %dma_start3A_79] : memref<4096x1024xf32, #tpu.memory_space<hbm>> -> memref<32x1024xf32, #tpu.memory_space<hbm>>
      %dma_start3A_81 = arith.constant 0 : i32
      %dma_start3A_82 = tpu.memref_slice %arg2[%add3A_19, %dma_start3A_81] : memref<4096x1024xf32, #tpu.memory_space<hbm>> -> memref<32x1024xf32, #tpu.memory_space<hbm>>
      tpu.enqueue_dma source(%dma_start3A_82 : memref<32x1024xf32, #tpu.memory_space<hbm>>) target(%arg11 : memref<32x1024xf32, #tpu.memory_space<vmem>>) target_semaphore(%run_scoped3A : memref<!tpu.dma_semaphore, #tpu.memory_space<semaphore_mem>>)
      %dma_wait3A_83 = arith.constant 0 : i32
      %dma_wait3A_84 = tpu.memref_slice %arg2[%add3A_19, %dma_wait3A_83] : memref<4096x1024xf32, #tpu.memory_space<hbm>> -> memref<32x1024xf32, #tpu.memory_space<hbm>>
      %dma_wait3A_85 = arith.constant 0 : i32
      %dma_wait3A_86 = tpu.memref_slice %arg2[%add3A_19, %dma_wait3A_85] : memref<4096x1024xf32, #tpu.memory_space<hbm>> -> memref<32x1024xf32, #tpu.memory_space<hbm>>
      tpu.wait_dma2 semaphore(%run_scoped3A : memref<!tpu.dma_semaphore, #tpu.memory_space<semaphore_mem>>) src(%dma_wait3A_86 : memref<32x1024xf32, #tpu.memory_space<hbm>>) dst(%arg11 : memref<32x1024xf32, #tpu.memory_space<vmem>>)
      tpu.yield
    }) : () -> ()
    %dma_start3A_20 = arith.constant 1 : i32
    %dma_start3A_21 = arith.constant 0 : i32
    %dma_start3A_22 = tpu.memref_slice %arg8[%dma_start3A_20, %dma_start3A_21] : memref<4x32xi32, #tpu.memory_space<vmem>> -> memref<1x32xi32, #tpu.memory_space<vmem>>
    %dma_start3A_23 = tpu.memref_squeeze %dma_start3A_22 : memref<1x32xi32, #tpu.memory_space<vmem>> -> memref<32xi32, #tpu.memory_space<vmem>>
    %dma_start3A_24 = arith.constant 0 : i32
    %dma_start3A_25 = arith.constant 0 : i32
    %dma_start3A_26 = tpu.memref_slice %arg6[%dma_start3A_24, %dma_start3A_25] : memref<12288x1024xf32, #tpu.memory_space<hbm>> -> memref<12288x1024xf32, #tpu.memory_space<hbm>>
    tpu.enqueue_indirect_dma source(%arg11 : memref<32x1024xf32, #tpu.memory_space<vmem>>) target(%dma_start3A_26 : memref<12288x1024xf32, #tpu.memory_space<hbm>>) offsets(%dma_start3A_23 : memref<32xi32, #tpu.memory_space<vmem>>) semaphore(%arg15 : memref<!tpu.dma_semaphore, #tpu.memory_space<semaphore_mem>>)
    %add3A_27 = arith.constant 64 : i32
    %add3A_28 = arith.addi %mul3A_2, %add3A_27 : i32
    "tpu.region"() ({
      %run_scoped3A = tpu.sem_alloc : memref<!tpu.dma_semaphore, #tpu.memory_space<semaphore_mem>>
      %dma_start3A_79 = arith.constant 0 : i32
      %dma_start3A_80 = tpu.memref_slice %arg2[%add3A_28, %dma_start3A_79] : memref<4096x1024xf32, #tpu.memory_space<hbm>> -> memref<32x1024xf32, #tpu.memory_space<hbm>>
      %dma_start3A_81 = arith.constant 0 : i32
      %dma_start3A_82 = tpu.memref_slice %arg2[%add3A_28, %dma_start3A_81] : memref<4096x1024xf32, #tpu.memory_space<hbm>> -> memref<32x1024xf32, #tpu.memory_space<hbm>>
      tpu.enqueue_dma source(%dma_start3A_82 : memref<32x1024xf32, #tpu.memory_space<hbm>>) target(%arg12 : memref<32x1024xf32, #tpu.memory_space<vmem>>) target_semaphore(%run_scoped3A : memref<!tpu.dma_semaphore, #tpu.memory_space<semaphore_mem>>)
      %dma_wait3A_83 = arith.constant 0 : i32
      %dma_wait3A_84 = tpu.memref_slice %arg2[%add3A_28, %dma_wait3A_83] : memref<4096x1024xf32, #tpu.memory_space<hbm>> -> memref<32x1024xf32, #tpu.memory_space<hbm>>
      %dma_wait3A_85 = arith.constant 0 : i32
      %dma_wait3A_86 = tpu.memref_slice %arg2[%add3A_28, %dma_wait3A_85] : memref<4096x1024xf32, #tpu.memory_space<hbm>> -> memref<32x1024xf32, #tpu.memory_space<hbm>>
      tpu.wait_dma2 semaphore(%run_scoped3A : memref<!tpu.dma_semaphore, #tpu.memory_space<semaphore_mem>>) src(%dma_wait3A_86 : memref<32x1024xf32, #tpu.memory_space<hbm>>) dst(%arg12 : memref<32x1024xf32, #tpu.memory_space<vmem>>)
      tpu.yield
    }) : () -> ()
    %dma_start3A_29 = arith.constant 2 : i32
    %dma_start3A_30 = arith.constant 0 : i32
    %dma_start3A_31 = tpu.memref_slice %arg8[%dma_start3A_29, %dma_start3A_30] : memref<4x32xi32, #tpu.memory_space<vmem>> -> memref<1x32xi32, #tpu.memory_space<vmem>>
    %dma_start3A_32 = tpu.memref_squeeze %dma_start3A_31 : memref<1x32xi32, #tpu.memory_space<vmem>> -> memref<32xi32, #tpu.memory_space<vmem>>
    %dma_start3A_33 = arith.constant 0 : i32
    %dma_start3A_34 = arith.constant 0 : i32
    %dma_start3A_35 = tpu.memref_slice %arg6[%dma_start3A_33, %dma_start3A_34] : memref<12288x1024xf32, #tpu.memory_space<hbm>> -> memref<12288x1024xf32, #tpu.memory_space<hbm>>
    tpu.enqueue_indirect_dma source(%arg12 : memref<32x1024xf32, #tpu.memory_space<vmem>>) target(%dma_start3A_35 : memref<12288x1024xf32, #tpu.memory_space<hbm>>) offsets(%dma_start3A_32 : memref<32xi32, #tpu.memory_space<vmem>>) semaphore(%arg16 : memref<!tpu.dma_semaphore, #tpu.memory_space<semaphore_mem>>)
    %dma_wait3A = arith.constant 0 : i32
    %dma_wait3A_36 = arith.constant 0 : i32
    %dma_wait3A_37 = tpu.memref_slice %arg8[%dma_wait3A, %dma_wait3A_36] : memref<4x32xi32, #tpu.memory_space<vmem>> -> memref<1x32xi32, #tpu.memory_space<vmem>>
    %dma_wait3A_38 = tpu.memref_squeeze %dma_wait3A_37 : memref<1x32xi32, #tpu.memory_space<vmem>> -> memref<32xi32, #tpu.memory_space<vmem>>
    %dma_wait3A_39 = arith.constant 0 : i32
    %dma_wait3A_40 = arith.constant 0 : i32
    %dma_wait3A_41 = tpu.memref_slice %arg6[%dma_wait3A_39, %dma_wait3A_40] : memref<12288x1024xf32, #tpu.memory_space<hbm>> -> memref<12288x1024xf32, #tpu.memory_space<hbm>>
    tpu.wait_indirect_dma semaphore(%arg14 : memref<!tpu.dma_semaphore, #tpu.memory_space<semaphore_mem>>) src(%arg10 : memref<32x1024xf32, #tpu.memory_space<vmem>>) dst(%dma_wait3A_41 : memref<12288x1024xf32, #tpu.memory_space<hbm>>)
    %add3A_42 = arith.constant 96 : i32
    %add3A_43 = arith.addi %mul3A_2, %add3A_42 : i32
    "tpu.region"() ({
      %run_scoped3A = tpu.sem_alloc : memref<!tpu.dma_semaphore, #tpu.memory_space<semaphore_mem>>
      %dma_start3A_79 = arith.constant 0 : i32
      %dma_start3A_80 = tpu.memref_slice %arg2[%add3A_43, %dma_start3A_79] : memref<4096x1024xf32, #tpu.memory_space<hbm>> -> memref<32x1024xf32, #tpu.memory_space<hbm>>
      %dma_start3A_81 = arith.constant 0 : i32
      %dma_start3A_82 = tpu.memref_slice %arg2[%add3A_43, %dma_start3A_81] : memref<4096x1024xf32, #tpu.memory_space<hbm>> -> memref<32x1024xf32, #tpu.memory_space<hbm>>
      tpu.enqueue_dma source(%dma_start3A_82 : memref<32x1024xf32, #tpu.memory_space<hbm>>) target(%arg10 : memref<32x1024xf32, #tpu.memory_space<vmem>>) target_semaphore(%run_scoped3A : memref<!tpu.dma_semaphore, #tpu.memory_space<semaphore_mem>>)
      %dma_wait3A_83 = arith.constant 0 : i32
      %dma_wait3A_84 = tpu.memref_slice %arg2[%add3A_43, %dma_wait3A_83] : memref<4096x1024xf32, #tpu.memory_space<hbm>> -> memref<32x1024xf32, #tpu.memory_space<hbm>>
      %dma_wait3A_85 = arith.constant 0 : i32
      %dma_wait3A_86 = tpu.memref_slice %arg2[%add3A_43, %dma_wait3A_85] : memref<4096x1024xf32, #tpu.memory_space<hbm>> -> memref<32x1024xf32, #tpu.memory_space<hbm>>
      tpu.wait_dma2 semaphore(%run_scoped3A : memref<!tpu.dma_semaphore, #tpu.memory_space<semaphore_mem>>) src(%dma_wait3A_86 : memref<32x1024xf32, #tpu.memory_space<hbm>>) dst(%arg10 : memref<32x1024xf32, #tpu.memory_space<vmem>>)
      tpu.yield
    }) : () -> ()
    %dma_start3A_44 = arith.constant 3 : i32
    %dma_start3A_45 = arith.constant 0 : i32
    %dma_start3A_46 = tpu.memref_slice %arg8[%dma_start3A_44, %dma_start3A_45] : memref<4x32xi32, #tpu.memory_space<vmem>> -> memref<1x32xi32, #tpu.memory_space<vmem>>
    %dma_start3A_47 = tpu.memref_squeeze %dma_start3A_46 : memref<1x32xi32, #tpu.memory_space<vmem>> -> memref<32xi32, #tpu.memory_space<vmem>>
    %dma_start3A_48 = arith.constant 0 : i32
    %dma_start3A_49 = arith.constant 0 : i32
    %dma_start3A_50 = tpu.memref_slice %arg6[%dma_start3A_48, %dma_start3A_49] : memref<12288x1024xf32, #tpu.memory_space<hbm>> -> memref<12288x1024xf32, #tpu.memory_space<hbm>>
    tpu.enqueue_indirect_dma source(%arg10 : memref<32x1024xf32, #tpu.memory_space<vmem>>) target(%dma_start3A_50 : memref<12288x1024xf32, #tpu.memory_space<hbm>>) offsets(%dma_start3A_47 : memref<32xi32, #tpu.memory_space<vmem>>) semaphore(%arg14 : memref<!tpu.dma_semaphore, #tpu.memory_space<semaphore_mem>>)
    %dma_wait3A_51 = arith.constant 3 : i32
    %dma_wait3A_52 = arith.constant 0 : i32
    %dma_wait3A_53 = tpu.memref_slice %arg8[%dma_wait3A_51, %dma_wait3A_52] : memref<4x32xi32, #tpu.memory_space<vmem>> -> memref<1x32xi32, #tpu.memory_space<vmem>>
    %dma_wait3A_54 = tpu.memref_squeeze %dma_wait3A_53 : memref<1x32xi32, #tpu.memory_space<vmem>> -> memref<32xi32, #tpu.memory_space<vmem>>
    %dma_wait3A_55 = arith.constant 0 : i32
    %dma_wait3A_56 = arith.constant 0 : i32
    %dma_wait3A_57 = tpu.memref_slice %arg6[%dma_wait3A_55, %dma_wait3A_56] : memref<12288x1024xf32, #tpu.memory_space<hbm>> -> memref<12288x1024xf32, #tpu.memory_space<hbm>>
    tpu.wait_indirect_dma semaphore(%arg14 : memref<!tpu.dma_semaphore, #tpu.memory_space<semaphore_mem>>) src(%arg10 : memref<32x1024xf32, #tpu.memory_space<vmem>>) dst(%dma_wait3A_57 : memref<12288x1024xf32, #tpu.memory_space<hbm>>)
    %dma_wait3A_58 = arith.constant 1 : i32
    %dma_wait3A_59 = arith.constant 0 : i32
    %dma_wait3A_60 = tpu.memref_slice %arg8[%dma_wait3A_58, %dma_wait3A_59] : memref<4x32xi32, #tpu.memory_space<vmem>> -> memref<1x32xi32, #tpu.memory_space<vmem>>
    %dma_wait3A_61 = tpu.memref_squeeze %dma_wait3A_60 : memref<1x32xi32, #tpu.memory_space<vmem>> -> memref<32xi32, #tpu.memory_space<vmem>>
    %dma_wait3A_62 = arith.constant 0 : i32
    %dma_wait3A_63 = arith.constant 0 : i32
    %dma_wait3A_64 = tpu.memref_slice %arg6[%dma_wait3A_62, %dma_wait3A_63] : memref<12288x1024xf32, #tpu.memory_space<hbm>> -> memref<12288x1024xf32, #tpu.memory_space<hbm>>
    tpu.wait_indirect_dma semaphore(%arg15 : memref<!tpu.dma_semaphore, #tpu.memory_space<semaphore_mem>>) src(%arg11 : memref<32x1024xf32, #tpu.memory_space<vmem>>) dst(%dma_wait3A_64 : memref<12288x1024xf32, #tpu.memory_space<hbm>>)
    %dma_wait3A_65 = arith.constant 2 : i32
    %dma_wait3A_66 = arith.constant 0 : i32
    %dma_wait3A_67 = tpu.memref_slice %arg8[%dma_wait3A_65, %dma_wait3A_66] : memref<4x32xi32, #tpu.memory_space<vmem>> -> memref<1x32xi32, #tpu.memory_space<vmem>>
    %dma_wait3A_68 = tpu.memref_squeeze %dma_wait3A_67 : memref<1x32xi32, #tpu.memory_space<vmem>> -> memref<32xi32, #tpu.memory_space<vmem>>
    %dma_wait3A_69 = arith.constant 0 : i32
    %dma_wait3A_70 = arith.constant 0 : i32
    %dma_wait3A_71 = tpu.memref_slice %arg6[%dma_wait3A_69, %dma_wait3A_70] : memref<12288x1024xf32, #tpu.memory_space<hbm>> -> memref<12288x1024xf32, #tpu.memory_space<hbm>>
    tpu.wait_indirect_dma semaphore(%arg16 : memref<!tpu.dma_semaphore, #tpu.memory_space<semaphore_mem>>) src(%arg12 : memref<32x1024xf32, #tpu.memory_space<vmem>>) dst(%dma_wait3A_71 : memref<12288x1024xf32, #tpu.memory_space<hbm>>)
    %dma_wait3A_72 = arith.constant 0 : i32
    %dma_wait3A_73 = arith.constant 0 : i32
    %dma_wait3A_74 = tpu.memref_slice %arg9[%dma_wait3A_72, %dma_wait3A_73] : memref<1x128xi32, #tpu.memory_space<vmem>> -> memref<1x128xi32, #tpu.memory_space<vmem>>
    %dma_wait3A_75 = tpu.memref_squeeze %dma_wait3A_74 : memref<1x128xi32, #tpu.memory_space<vmem>> -> memref<128xi32, #tpu.memory_space<vmem>>
    %dma_wait3A_76 = arith.constant 0 : i32
    %dma_wait3A_77 = arith.constant 0 : i32
    %dma_wait3A_78 = tpu.memref_slice %arg7[%dma_wait3A_76, %dma_wait3A_77] : memref<12288x128xf32, #tpu.memory_space<hbm>> -> memref<12288x128xf32, #tpu.memory_space<hbm>>
    tpu.wait_indirect_dma semaphore(%arg17 : memref<!tpu.dma_semaphore, #tpu.memory_space<semaphore_mem>>) src(%arg13 : memref<128x128xf32, #tpu.memory_space<vmem>>) dst(%dma_wait3A_78 : memref<12288x128xf32, #tpu.memory_space<hbm>>)
    return
  }
}

#map = affine_map<(d0, d1) -> (0, 0)>
module attributes {stable_mosaic.version = 14 : i64} {
  func.func @_sc_combine_body(%arg0: i32, %arg1: i32, %arg2: memref<12288x128xf32, #tpu.memory_space<hbm>>, %arg3: memref<32x128xi32, #tpu.memory_space<hbm>>, %arg4: memref<4096x128xf32, #tpu.memory_space<hbm>>, %arg5: memref<128xi32, #tpu.memory_space<vmem>>, %arg6: memref<128x128xf32, #tpu.memory_space<vmem>>, %arg7: memref<!tpu.dma_semaphore, #tpu.memory_space<semaphore_mem>>) attributes {dimension_semantics = [#tpu.dimension_semantics<core_parallel>, #tpu.dimension_semantics<subcore_parallel>], iteration_bounds = array<i64: 2, 16>, scalar_prefetch = 0 : i64, scratch_operands = 3 : i64, tpu.core_type = #tpu.core_type<sc_vector_subcore>, window_params = [{transform_indices = #map}, {transform_indices = #map}, {transform_indices = #map}]} {
    %mul3A = arith.constant 2 : i32
    %mul3A_0 = arith.muli %arg1, %mul3A : i32
    %add3A = arith.addi %mul3A_0, %arg0 : i32
    %mul3A_1 = arith.constant 128 : i32
    %mul3A_2 = arith.muli %add3A, %mul3A_1 : i32
    "tpu.region"() ({
      %run_scoped3A = tpu.sem_alloc : memref<!tpu.dma_semaphore, #tpu.memory_space<semaphore_mem>>
      %dma_start3A_7 = arith.constant 0 : i32
      %dma_start3A_8 = tpu.memref_slice %arg3[%add3A, %dma_start3A_7] : memref<32x128xi32, #tpu.memory_space<hbm>> -> memref<1x128xi32, #tpu.memory_space<hbm>>
      %dma_start3A_9 = tpu.memref_squeeze %dma_start3A_8 : memref<1x128xi32, #tpu.memory_space<hbm>> -> memref<128xi32, #tpu.memory_space<hbm>>
      %dma_start3A_10 = arith.constant 0 : i32
      %dma_start3A_11 = tpu.memref_slice %arg3[%add3A, %dma_start3A_10] : memref<32x128xi32, #tpu.memory_space<hbm>> -> memref<1x128xi32, #tpu.memory_space<hbm>>
      %dma_start3A_12 = tpu.memref_squeeze %dma_start3A_11 : memref<1x128xi32, #tpu.memory_space<hbm>> -> memref<128xi32, #tpu.memory_space<hbm>>
      tpu.enqueue_dma source(%dma_start3A_12 : memref<128xi32, #tpu.memory_space<hbm>>) target(%arg5 : memref<128xi32, #tpu.memory_space<vmem>>) target_semaphore(%run_scoped3A : memref<!tpu.dma_semaphore, #tpu.memory_space<semaphore_mem>>)
      %dma_wait3A_13 = arith.constant 0 : i32
      %dma_wait3A_14 = tpu.memref_slice %arg3[%add3A, %dma_wait3A_13] : memref<32x128xi32, #tpu.memory_space<hbm>> -> memref<1x128xi32, #tpu.memory_space<hbm>>
      %dma_wait3A_15 = tpu.memref_squeeze %dma_wait3A_14 : memref<1x128xi32, #tpu.memory_space<hbm>> -> memref<128xi32, #tpu.memory_space<hbm>>
      %dma_wait3A_16 = arith.constant 0 : i32
      %dma_wait3A_17 = tpu.memref_slice %arg3[%add3A, %dma_wait3A_16] : memref<32x128xi32, #tpu.memory_space<hbm>> -> memref<1x128xi32, #tpu.memory_space<hbm>>
      %dma_wait3A_18 = tpu.memref_squeeze %dma_wait3A_17 : memref<1x128xi32, #tpu.memory_space<hbm>> -> memref<128xi32, #tpu.memory_space<hbm>>
      tpu.wait_dma2 semaphore(%run_scoped3A : memref<!tpu.dma_semaphore, #tpu.memory_space<semaphore_mem>>) src(%dma_wait3A_18 : memref<128xi32, #tpu.memory_space<hbm>>) dst(%arg5 : memref<128xi32, #tpu.memory_space<vmem>>)
      tpu.yield
    }) : () -> ()
    %dma_start3A = arith.constant 0 : i32
    %dma_start3A_3 = arith.constant 0 : i32
    %dma_start3A_4 = tpu.memref_slice %arg2[%dma_start3A, %dma_start3A_3] : memref<12288x128xf32, #tpu.memory_space<hbm>> -> memref<12288x128xf32, #tpu.memory_space<hbm>>
    tpu.enqueue_indirect_dma source(%dma_start3A_4 : memref<12288x128xf32, #tpu.memory_space<hbm>>) target(%arg6 : memref<128x128xf32, #tpu.memory_space<vmem>>) offsets(%arg5 : memref<128xi32, #tpu.memory_space<vmem>>) semaphore(%arg7 : memref<!tpu.dma_semaphore, #tpu.memory_space<semaphore_mem>>)
    %dma_wait3A = arith.constant 0 : i32
    %dma_wait3A_5 = arith.constant 0 : i32
    %dma_wait3A_6 = tpu.memref_slice %arg2[%dma_wait3A, %dma_wait3A_5] : memref<12288x128xf32, #tpu.memory_space<hbm>> -> memref<12288x128xf32, #tpu.memory_space<hbm>>
    tpu.wait_indirect_dma semaphore(%arg7 : memref<!tpu.dma_semaphore, #tpu.memory_space<semaphore_mem>>) src(%dma_wait3A_6 : memref<12288x128xf32, #tpu.memory_space<hbm>>) dst(%arg6 : memref<128x128xf32, #tpu.memory_space<vmem>>)
    "tpu.region"() ({
      %run_scoped3A = tpu.sem_alloc : memref<!tpu.dma_semaphore, #tpu.memory_space<semaphore_mem>>
      %dma_start3A_7 = arith.constant 0 : i32
      %dma_start3A_8 = tpu.memref_slice %arg4[%mul3A_2, %dma_start3A_7] : memref<4096x128xf32, #tpu.memory_space<hbm>> -> memref<128x128xf32, #tpu.memory_space<hbm>>
      %dma_start3A_9 = arith.constant 0 : i32
      %dma_start3A_10 = tpu.memref_slice %arg4[%mul3A_2, %dma_start3A_9] : memref<4096x128xf32, #tpu.memory_space<hbm>> -> memref<128x128xf32, #tpu.memory_space<hbm>>
      tpu.enqueue_dma source(%arg6 : memref<128x128xf32, #tpu.memory_space<vmem>>) target(%dma_start3A_10 : memref<128x128xf32, #tpu.memory_space<hbm>>) target_semaphore(%run_scoped3A : memref<!tpu.dma_semaphore, #tpu.memory_space<semaphore_mem>>)
      %dma_wait3A_11 = arith.constant 0 : i32
      %dma_wait3A_12 = tpu.memref_slice %arg4[%mul3A_2, %dma_wait3A_11] : memref<4096x128xf32, #tpu.memory_space<hbm>> -> memref<128x128xf32, #tpu.memory_space<hbm>>
      %dma_wait3A_13 = arith.constant 0 : i32
      %dma_wait3A_14 = tpu.memref_slice %arg4[%mul3A_2, %dma_wait3A_13] : memref<4096x128xf32, #tpu.memory_space<hbm>> -> memref<128x128xf32, #tpu.memory_space<hbm>>
      tpu.wait_dma2 semaphore(%run_scoped3A : memref<!tpu.dma_semaphore, #tpu.memory_space<semaphore_mem>>) src(%arg6 : memref<128x128xf32, #tpu.memory_space<vmem>>) dst(%dma_wait3A_14 : memref<128x128xf32, #tpu.memory_space<hbm>>)
      tpu.yield
    }) : () -> ()
    return
  }
}

module attributes {stable_mosaic.version = 14 : i64} {
  func.func @_route_kernel(%arg0: memref<32x128xi32, #tpu.memory_space<vmem>>, %arg1: memref<32x128xi32, #tpu.memory_space<vmem>>, %arg2: memref<8x128xi32, #tpu.memory_space<vmem>>) attributes {dimension_semantics = [], scalar_prefetch = 0 : i64, scratch_operands = 0 : i64, tpu.core_type = #tpu.core_type<tc>} {
    %get3A = arith.constant 0 : index
    %get3A_0 = arith.constant 0 : index
    %get3A_1 = vector.load %arg0[%get3A, %get3A_0] : memref<32x128xi32, #tpu.memory_space<vmem>>, vector<32x128xi32>
    %iota3A = tpu.iota {dimensions = array<i32: 0>} : vector<128x128xi32>
    %iota3A_2 = tpu.iota {dimensions = array<i32: 1>} : vector<128x128xi32>
    %lt3A = arith.cmpi slt, %iota3A, %iota3A_2 : vector<128x128xi32>
    %jit3A = arith.constant 1.000000e+00 : f32
    %jit3A_3 = arith.constant 0.000000e+00 : f32
    %broadcast_in_dim3A = vector.broadcast %jit3A : f32 to vector<128x128xf32>
    %broadcast_in_dim3A_4 = vector.broadcast %jit3A_3 : f32 to vector<128x128xf32>
    %select_n3A = arith.select %lt3A, %broadcast_in_dim3A, %broadcast_in_dim3A_4 : vector<128x128xi1>, vector<128x128xf32>
    %iota3A_5 = tpu.iota {dimensions = array<i32: 0>} : vector<32x32xi32>
    %iota3A_6 = tpu.iota {dimensions = array<i32: 1>} : vector<32x32xi32>
    %lt3A_7 = arith.cmpi slt, %iota3A_6, %iota3A_5 : vector<32x32xi32>
    %jit3A_8 = arith.constant 1.000000e+00 : f32
    %jit3A_9 = arith.constant 0.000000e+00 : f32
    %broadcast_in_dim3A_10 = vector.broadcast %jit3A_8 : f32 to vector<32x32xf32>
    %broadcast_in_dim3A_11 = vector.broadcast %jit3A_9 : f32 to vector<32x32xf32>
    %select_n3A_12 = arith.select %lt3A_7, %broadcast_in_dim3A_10, %broadcast_in_dim3A_11 : vector<32x32xi1>, vector<32x32xf32>
    %broadcast_in_dim3A_13 = arith.constant 0 : i32
    %broadcast_in_dim3A_14 = vector.broadcast %broadcast_in_dim3A_13 : i32 to vector<32x128xi32>
    %eq3A = arith.constant 0 : i32
    %eq3A_15 = vector.broadcast %eq3A : i32 to vector<32x128xi32>
    %eq3A_16 = arith.cmpi eq, %get3A_1, %eq3A_15 : vector<32x128xi32>
    %jit3A_17 = arith.constant 1.000000e+00 : f32
    %jit3A_18 = arith.constant 0.000000e+00 : f32
    %broadcast_in_dim3A_19 = vector.broadcast %jit3A_17 : f32 to vector<32x128xf32>
    %broadcast_in_dim3A_20 = vector.broadcast %jit3A_18 : f32 to vector<32x128xf32>
    %select_n3A_21 = arith.select %eq3A_16, %broadcast_in_dim3A_19, %broadcast_in_dim3A_20 : vector<32x128xi1>, vector<32x128xf32>
    %dot_general3A = arith.constant dense<0.000000e+00> : vector<32x128xf32>
    %dot_general3A_22 = tpu.matmul %select_n3A_21, %select_n3A, %dot_general3A {dimension_numbers = #tpu.dot_dimension_numbers<[1], [0], [0], [1], [0, 0, 1, 1], [], []>, transpose_lhs_hint = false} : vector<32x128xf32>, vector<128x128xf32>, vector<32x128xf32> -> vector<32x128xf32>
    %reduce_sum3A = arith.constant dense<0.000000e+00> : vector<32xf32>
    %reduce_sum3A_23 = vector.multi_reduction <add>, %select_n3A_21, %reduce_sum3A [1] : vector<32x128xf32> to vector<32xf32>
    %broadcast_in_dim3A_24 = vector.shape_cast %reduce_sum3A_23 : vector<32xf32> to vector<32x1xf32>
    %dot_general3A_25 = arith.constant dense<0.000000e+00> : vector<32x1xf32>
    %dot_general3A_26 = tpu.matmul %select_n3A_12, %broadcast_in_dim3A_24, %dot_general3A_25 {dimension_numbers = #tpu.dot_dimension_numbers<[1], [0], [0], [1], [0, 0, 1, 1], [], []>, transpose_lhs_hint = false} : vector<32x32xf32>, vector<32x1xf32>, vector<32x1xf32> -> vector<32x1xf32>
    %add3A = vector.broadcast %dot_general3A_26 : vector<32x1xf32> to vector<32x128xf32>
    %add3A_27 = arith.addf %dot_general3A_22, %add3A : vector<32x128xf32>
    %convert_element_type3A = arith.fptosi %add3A_27 : vector<32x128xf32> to vector<32x128xi32>
    %reduce_sum3A_28 = vector.shape_cast %broadcast_in_dim3A_24 : vector<32x1xf32> to vector<1x32x1xf32>
    %reduce_sum3A_29 = arith.constant dense<0.000000e+00> : vector<1xf32>
    %reduce_sum3A_30 = vector.multi_reduction <add>, %reduce_sum3A_28, %reduce_sum3A_29 [1, 2] : vector<1x32x1xf32> to vector<1xf32>
    %reduce_sum3A_31 = vector.shape_cast %reduce_sum3A_30 : vector<1xf32> to vector<1x1x1xf32>
    %reduce_sum3A_32 = vector.extract %reduce_sum3A_31[0, 0, 0] : f32 from vector<1x1x1xf32>
    %convert_element_type3A_33 = arith.fptosi %reduce_sum3A_32 : f32 to i32
    %add3A_34 = arith.constant 1024 : i32
    %add3A_35 = arith.addi %convert_element_type3A_33, %add3A_34 : i32
    %sub3A = arith.constant 1 : i32
    %sub3A_36 = arith.subi %add3A_35, %sub3A : i32
    %jit3A_37 = arith.constant 1024 : i32
    %div3A = arith.divsi %sub3A_36, %jit3A_37 : i32
    %sign3A = arith.constant 0 : i32
    %sign3A_38 = arith.cmpi sgt, %sub3A_36, %sign3A : i32
    %sign3A_39 = arith.extui %sign3A_38 : i1 to i32
    %sign3A_40 = arith.constant 0 : i32
    %sign3A_41 = arith.cmpi slt, %sub3A_36, %sign3A_40 : i32
    %sign3A_42 = arith.extui %sign3A_41 : i1 to i32
    %sign3A_43 = arith.subi %sign3A_39, %sign3A_42 : i32
    %sign3A_44 = arith.constant 0 : i32
    %sign3A_45 = arith.cmpi sgt, %jit3A_37, %sign3A_44 : i32
    %sign3A_46 = arith.extui %sign3A_45 : i1 to i32
    %sign3A_47 = arith.constant 0 : i32
    %sign3A_48 = arith.cmpi slt, %jit3A_37, %sign3A_47 : i32
    %sign3A_49 = arith.extui %sign3A_48 : i1 to i32
    %sign3A_50 = arith.subi %sign3A_46, %sign3A_49 : i32
    %ne3A = arith.cmpi ne, %sign3A_43, %sign3A_50 : i32
    %rem3A = arith.remsi %sub3A_36, %jit3A_37 : i32
    %ne3A_51 = arith.constant 0 : i32
    %ne3A_52 = arith.cmpi ne, %rem3A, %ne3A_51 : i32
    %and3A = arith.andi %ne3A, %ne3A_52 : i1
    %sub3A_53 = arith.constant 1 : i32
    %sub3A_54 = arith.subi %div3A, %sub3A_53 : i32
    %select_n3A_55 = arith.select %and3A, %sub3A_54, %div3A : i32
    %mul3A = arith.constant 1024 : i32
    %mul3A_56 = arith.muli %select_n3A_55, %mul3A : i32
    %eq3A_57 = arith.constant 0 : i32
    %eq3A_58 = vector.broadcast %eq3A_57 : i32 to vector<32x128xi32>
    %eq3A_59 = arith.cmpi eq, %get3A_1, %eq3A_58 : vector<32x128xi32>
    %add3A_60 = arith.constant 0 : i32
    %add3A_61 = vector.broadcast %add3A_60 : i32 to vector<32x128xi32>
    %add3A_62 = arith.addi %add3A_61, %convert_element_type3A : vector<32x128xi32>
    %jit3A_63 = arith.constant 0 : i32
    %broadcast_in_dim3A_64 = vector.broadcast %jit3A_63 : i32 to vector<32x128xi32>
    %select_n3A_65 = arith.select %eq3A_59, %add3A_62, %broadcast_in_dim3A_64 : vector<32x128xi1>, vector<32x128xi32>
    %add3A_66 = arith.addi %broadcast_in_dim3A_14, %select_n3A_65 : vector<32x128xi32>
    %add3A_67 = arith.constant 0 : i32
    %add3A_68 = arith.addi %add3A_67, %mul3A_56 : i32
    %eq3A_69 = arith.constant 1 : i32
    %eq3A_70 = vector.broadcast %eq3A_69 : i32 to vector<32x128xi32>
    %eq3A_71 = arith.cmpi eq, %get3A_1, %eq3A_70 : vector<32x128xi32>
    %jit3A_72 = arith.constant 1.000000e+00 : f32
    %jit3A_73 = arith.constant 0.000000e+00 : f32
    %broadcast_in_dim3A_74 = vector.broadcast %jit3A_72 : f32 to vector<32x128xf32>
    %broadcast_in_dim3A_75 = vector.broadcast %jit3A_73 : f32 to vector<32x128xf32>
    %select_n3A_76 = arith.select %eq3A_71, %broadcast_in_dim3A_74, %broadcast_in_dim3A_75 : vector<32x128xi1>, vector<32x128xf32>
    %dot_general3A_77 = arith.constant dense<0.000000e+00> : vector<32x128xf32>
    %dot_general3A_78 = tpu.matmul %select_n3A_76, %select_n3A, %dot_general3A_77 {dimension_numbers = #tpu.dot_dimension_numbers<[1], [0], [0], [1], [0, 0, 1, 1], [], []>, transpose_lhs_hint = false} : vector<32x128xf32>, vector<128x128xf32>, vector<32x128xf32> -> vector<32x128xf32>
    %reduce_sum3A_79 = arith.constant dense<0.000000e+00> : vector<32xf32>
    %reduce_sum3A_80 = vector.multi_reduction <add>, %select_n3A_76, %reduce_sum3A_79 [1] : vector<32x128xf32> to vector<32xf32>
    %broadcast_in_dim3A_81 = vector.shape_cast %reduce_sum3A_80 : vector<32xf32> to vector<32x1xf32>
    %dot_general3A_82 = arith.constant dense<0.000000e+00> : vector<32x1xf32>
    %dot_general3A_83 = tpu.matmul %select_n3A_12, %broadcast_in_dim3A_81, %dot_general3A_82 {dimension_numbers = #tpu.dot_dimension_numbers<[1], [0], [0], [1], [0, 0, 1, 1], [], []>, transpose_lhs_hint = false} : vector<32x32xf32>, vector<32x1xf32>, vector<32x1xf32> -> vector<32x1xf32>
    %add3A_84 = vector.broadcast %dot_general3A_83 : vector<32x1xf32> to vector<32x128xf32>
    %add3A_85 = arith.addf %dot_general3A_78, %add3A_84 : vector<32x128xf32>
    %convert_element_type3A_86 = arith.fptosi %add3A_85 : vector<32x128xf32> to vector<32x128xi32>
    %reduce_sum3A_87 = vector.shape_cast %broadcast_in_dim3A_81 : vector<32x1xf32> to vector<1x32x1xf32>
    %reduce_sum3A_88 = arith.constant dense<0.000000e+00> : vector<1xf32>
    %reduce_sum3A_89 = vector.multi_reduction <add>, %reduce_sum3A_87, %reduce_sum3A_88 [1, 2] : vector<1x32x1xf32> to vector<1xf32>
    %reduce_sum3A_90 = vector.shape_cast %reduce_sum3A_89 : vector<1xf32> to vector<1x1x1xf32>
    %reduce_sum3A_91 = vector.extract %reduce_sum3A_90[0, 0, 0] : f32 from vector<1x1x1xf32>
    %convert_element_type3A_92 = arith.fptosi %reduce_sum3A_91 : f32 to i32
    %add3A_93 = arith.constant 1024 : i32
    %add3A_94 = arith.addi %convert_element_type3A_92, %add3A_93 : i32
    %sub3A_95 = arith.constant 1 : i32
    %sub3A_96 = arith.subi %add3A_94, %sub3A_95 : i32
    %jit3A_97 = arith.constant 1024 : i32
    %div3A_98 = arith.divsi %sub3A_96, %jit3A_97 : i32
    %sign3A_99 = arith.constant 0 : i32
    %sign3A_100 = arith.cmpi sgt, %sub3A_96, %sign3A_99 : i32
    %sign3A_101 = arith.extui %sign3A_100 : i1 to i32
    %sign3A_102 = arith.constant 0 : i32
    %sign3A_103 = arith.cmpi slt, %sub3A_96, %sign3A_102 : i32
    %sign3A_104 = arith.extui %sign3A_103 : i1 to i32
    %sign3A_105 = arith.subi %sign3A_101, %sign3A_104 : i32
    %sign3A_106 = arith.constant 0 : i32
    %sign3A_107 = arith.cmpi sgt, %jit3A_97, %sign3A_106 : i32
    %sign3A_108 = arith.extui %sign3A_107 : i1 to i32
    %sign3A_109 = arith.constant 0 : i32
    %sign3A_110 = arith.cmpi slt, %jit3A_97, %sign3A_109 : i32
    %sign3A_111 = arith.extui %sign3A_110 : i1 to i32
    %sign3A_112 = arith.subi %sign3A_108, %sign3A_111 : i32
    %ne3A_113 = arith.cmpi ne, %sign3A_105, %sign3A_112 : i32
    %rem3A_114 = arith.remsi %sub3A_96, %jit3A_97 : i32
    %ne3A_115 = arith.constant 0 : i32
    %ne3A_116 = arith.cmpi ne, %rem3A_114, %ne3A_115 : i32
    %and3A_117 = arith.andi %ne3A_113, %ne3A_116 : i1
    %sub3A_118 = arith.constant 1 : i32
    %sub3A_119 = arith.subi %div3A_98, %sub3A_118 : i32
    %select_n3A_120 = arith.select %and3A_117, %sub3A_119, %div3A_98 : i32
    %mul3A_121 = arith.constant 1024 : i32
    %mul3A_122 = arith.muli %select_n3A_120, %mul3A_121 : i32
    %eq3A_123 = arith.constant 1 : i32
    %eq3A_124 = vector.broadcast %eq3A_123 : i32 to vector<32x128xi32>
    %eq3A_125 = arith.cmpi eq, %get3A_1, %eq3A_124 : vector<32x128xi32>
    %add3A_126 = vector.broadcast %add3A_68 : i32 to vector<32x128xi32>
    %add3A_127 = arith.addi %add3A_126, %convert_element_type3A_86 : vector<32x128xi32>
    %jit3A_128 = arith.constant 0 : i32
    %broadcast_in_dim3A_129 = vector.broadcast %jit3A_128 : i32 to vector<32x128xi32>
    %select_n3A_130 = arith.select %eq3A_125, %add3A_127, %broadcast_in_dim3A_129 : vector<32x128xi1>, vector<32x128xi32>
    %add3A_131 = arith.addi %add3A_66, %select_n3A_130 : vector<32x128xi32>
    %add3A_132 = arith.addi %add3A_68, %mul3A_122 : i32
    %eq3A_133 = arith.constant 2 : i32
    %eq3A_134 = vector.broadcast %eq3A_133 : i32 to vector<32x128xi32>
    %eq3A_135 = arith.cmpi eq, %get3A_1, %eq3A_134 : vector<32x128xi32>
    %jit3A_136 = arith.constant 1.000000e+00 : f32
    %jit3A_137 = arith.constant 0.000000e+00 : f32
    %broadcast_in_dim3A_138 = vector.broadcast %jit3A_136 : f32 to vector<32x128xf32>
    %broadcast_in_dim3A_139 = vector.broadcast %jit3A_137 : f32 to vector<32x128xf32>
    %select_n3A_140 = arith.select %eq3A_135, %broadcast_in_dim3A_138, %broadcast_in_dim3A_139 : vector<32x128xi1>, vector<32x128xf32>
    %dot_general3A_141 = arith.constant dense<0.000000e+00> : vector<32x128xf32>
    %dot_general3A_142 = tpu.matmul %select_n3A_140, %select_n3A, %dot_general3A_141 {dimension_numbers = #tpu.dot_dimension_numbers<[1], [0], [0], [1], [0, 0, 1, 1], [], []>, transpose_lhs_hint = false} : vector<32x128xf32>, vector<128x128xf32>, vector<32x128xf32> -> vector<32x128xf32>
    %reduce_sum3A_143 = arith.constant dense<0.000000e+00> : vector<32xf32>
    %reduce_sum3A_144 = vector.multi_reduction <add>, %select_n3A_140, %reduce_sum3A_143 [1] : vector<32x128xf32> to vector<32xf32>
    %broadcast_in_dim3A_145 = vector.shape_cast %reduce_sum3A_144 : vector<32xf32> to vector<32x1xf32>
    %dot_general3A_146 = arith.constant dense<0.000000e+00> : vector<32x1xf32>
    %dot_general3A_147 = tpu.matmul %select_n3A_12, %broadcast_in_dim3A_145, %dot_general3A_146 {dimension_numbers = #tpu.dot_dimension_numbers<[1], [0], [0], [1], [0, 0, 1, 1], [], []>, transpose_lhs_hint = false} : vector<32x32xf32>, vector<32x1xf32>, vector<32x1xf32> -> vector<32x1xf32>
    %add3A_148 = vector.broadcast %dot_general3A_147 : vector<32x1xf32> to vector<32x128xf32>
    %add3A_149 = arith.addf %dot_general3A_142, %add3A_148 : vector<32x128xf32>
    %convert_element_type3A_150 = arith.fptosi %add3A_149 : vector<32x128xf32> to vector<32x128xi32>
    %reduce_sum3A_151 = vector.shape_cast %broadcast_in_dim3A_145 : vector<32x1xf32> to vector<1x32x1xf32>
    %reduce_sum3A_152 = arith.constant dense<0.000000e+00> : vector<1xf32>
    %reduce_sum3A_153 = vector.multi_reduction <add>, %reduce_sum3A_151, %reduce_sum3A_152 [1, 2] : vector<1x32x1xf32> to vector<1xf32>
    %reduce_sum3A_154 = vector.shape_cast %reduce_sum3A_153 : vector<1xf32> to vector<1x1x1xf32>
    %reduce_sum3A_155 = vector.extract %reduce_sum3A_154[0, 0, 0] : f32 from vector<1x1x1xf32>
    %convert_element_type3A_156 = arith.fptosi %reduce_sum3A_155 : f32 to i32
    %add3A_157 = arith.constant 1024 : i32
    %add3A_158 = arith.addi %convert_element_type3A_156, %add3A_157 : i32
    %sub3A_159 = arith.constant 1 : i32
    %sub3A_160 = arith.subi %add3A_158, %sub3A_159 : i32
    %jit3A_161 = arith.constant 1024 : i32
    %div3A_162 = arith.divsi %sub3A_160, %jit3A_161 : i32
    %sign3A_163 = arith.constant 0 : i32
    %sign3A_164 = arith.cmpi sgt, %sub3A_160, %sign3A_163 : i32
    %sign3A_165 = arith.extui %sign3A_164 : i1 to i32
    %sign3A_166 = arith.constant 0 : i32
    %sign3A_167 = arith.cmpi slt, %sub3A_160, %sign3A_166 : i32
    %sign3A_168 = arith.extui %sign3A_167 : i1 to i32
    %sign3A_169 = arith.subi %sign3A_165, %sign3A_168 : i32
    %sign3A_170 = arith.constant 0 : i32
    %sign3A_171 = arith.cmpi sgt, %jit3A_161, %sign3A_170 : i32
    %sign3A_172 = arith.extui %sign3A_171 : i1 to i32
    %sign3A_173 = arith.constant 0 : i32
    %sign3A_174 = arith.cmpi slt, %jit3A_161, %sign3A_173 : i32
    %sign3A_175 = arith.extui %sign3A_174 : i1 to i32
    %sign3A_176 = arith.subi %sign3A_172, %sign3A_175 : i32
    %ne3A_177 = arith.cmpi ne, %sign3A_169, %sign3A_176 : i32
    %rem3A_178 = arith.remsi %sub3A_160, %jit3A_161 : i32
    %ne3A_179 = arith.constant 0 : i32
    %ne3A_180 = arith.cmpi ne, %rem3A_178, %ne3A_179 : i32
    %and3A_181 = arith.andi %ne3A_177, %ne3A_180 : i1
    %sub3A_182 = arith.constant 1 : i32
    %sub3A_183 = arith.subi %div3A_162, %sub3A_182 : i32
    %select_n3A_184 = arith.select %and3A_181, %sub3A_183, %div3A_162 : i32
    %mul3A_185 = arith.constant 1024 : i32
    %mul3A_186 = arith.muli %select_n3A_184, %mul3A_185 : i32
    %eq3A_187 = arith.constant 2 : i32
    %eq3A_188 = vector.broadcast %eq3A_187 : i32 to vector<32x128xi32>
    %eq3A_189 = arith.cmpi eq, %get3A_1, %eq3A_188 : vector<32x128xi32>
    %add3A_190 = vector.broadcast %add3A_132 : i32 to vector<32x128xi32>
    %add3A_191 = arith.addi %add3A_190, %convert_element_type3A_150 : vector<32x128xi32>
    %jit3A_192 = arith.constant 0 : i32
    %broadcast_in_dim3A_193 = vector.broadcast %jit3A_192 : i32 to vector<32x128xi32>
    %select_n3A_194 = arith.select %eq3A_189, %add3A_191, %broadcast_in_dim3A_193 : vector<32x128xi1>, vector<32x128xi32>
    %add3A_195 = arith.addi %add3A_131, %select_n3A_194 : vector<32x128xi32>
    %add3A_196 = arith.addi %add3A_132, %mul3A_186 : i32
    %eq3A_197 = arith.constant 3 : i32
    %eq3A_198 = vector.broadcast %eq3A_197 : i32 to vector<32x128xi32>
    %eq3A_199 = arith.cmpi eq, %get3A_1, %eq3A_198 : vector<32x128xi32>
    %jit3A_200 = arith.constant 1.000000e+00 : f32
    %jit3A_201 = arith.constant 0.000000e+00 : f32
    %broadcast_in_dim3A_202 = vector.broadcast %jit3A_200 : f32 to vector<32x128xf32>
    %broadcast_in_dim3A_203 = vector.broadcast %jit3A_201 : f32 to vector<32x128xf32>
    %select_n3A_204 = arith.select %eq3A_199, %broadcast_in_dim3A_202, %broadcast_in_dim3A_203 : vector<32x128xi1>, vector<32x128xf32>
    %dot_general3A_205 = arith.constant dense<0.000000e+00> : vector<32x128xf32>
    %dot_general3A_206 = tpu.matmul %select_n3A_204, %select_n3A, %dot_general3A_205 {dimension_numbers = #tpu.dot_dimension_numbers<[1], [0], [0], [1], [0, 0, 1, 1], [], []>, transpose_lhs_hint = false} : vector<32x128xf32>, vector<128x128xf32>, vector<32x128xf32> -> vector<32x128xf32>
    %reduce_sum3A_207 = arith.constant dense<0.000000e+00> : vector<32xf32>
    %reduce_sum3A_208 = vector.multi_reduction <add>, %select_n3A_204, %reduce_sum3A_207 [1] : vector<32x128xf32> to vector<32xf32>
    %broadcast_in_dim3A_209 = vector.shape_cast %reduce_sum3A_208 : vector<32xf32> to vector<32x1xf32>
    %dot_general3A_210 = arith.constant dense<0.000000e+00> : vector<32x1xf32>
    %dot_general3A_211 = tpu.matmul %select_n3A_12, %broadcast_in_dim3A_209, %dot_general3A_210 {dimension_numbers = #tpu.dot_dimension_numbers<[1], [0], [0], [1], [0, 0, 1, 1], [], []>, transpose_lhs_hint = false} : vector<32x32xf32>, vector<32x1xf32>, vector<32x1xf32> -> vector<32x1xf32>
    %add3A_212 = vector.broadcast %dot_general3A_211 : vector<32x1xf32> to vector<32x128xf32>
    %add3A_213 = arith.addf %dot_general3A_206, %add3A_212 : vector<32x128xf32>
    %convert_element_type3A_214 = arith.fptosi %add3A_213 : vector<32x128xf32> to vector<32x128xi32>
    %reduce_sum3A_215 = vector.shape_cast %broadcast_in_dim3A_209 : vector<32x1xf32> to vector<1x32x1xf32>
    %reduce_sum3A_216 = arith.constant dense<0.000000e+00> : vector<1xf32>
    %reduce_sum3A_217 = vector.multi_reduction <add>, %reduce_sum3A_215, %reduce_sum3A_216 [1, 2] : vector<1x32x1xf32> to vector<1xf32>
    %reduce_sum3A_218 = vector.shape_cast %reduce_sum3A_217 : vector<1xf32> to vector<1x1x1xf32>
    %reduce_sum3A_219 = vector.extract %reduce_sum3A_218[0, 0, 0] : f32 from vector<1x1x1xf32>
    %convert_element_type3A_220 = arith.fptosi %reduce_sum3A_219 : f32 to i32
    %add3A_221 = arith.constant 1024 : i32
    %add3A_222 = arith.addi %convert_element_type3A_220, %add3A_221 : i32
    %sub3A_223 = arith.constant 1 : i32
    %sub3A_224 = arith.subi %add3A_222, %sub3A_223 : i32
    %jit3A_225 = arith.constant 1024 : i32
    %div3A_226 = arith.divsi %sub3A_224, %jit3A_225 : i32
    %sign3A_227 = arith.constant 0 : i32
    %sign3A_228 = arith.cmpi sgt, %sub3A_224, %sign3A_227 : i32
    %sign3A_229 = arith.extui %sign3A_228 : i1 to i32
    %sign3A_230 = arith.constant 0 : i32
    %sign3A_231 = arith.cmpi slt, %sub3A_224, %sign3A_230 : i32
    %sign3A_232 = arith.extui %sign3A_231 : i1 to i32
    %sign3A_233 = arith.subi %sign3A_229, %sign3A_232 : i32
    %sign3A_234 = arith.constant 0 : i32
    %sign3A_235 = arith.cmpi sgt, %jit3A_225, %sign3A_234 : i32
    %sign3A_236 = arith.extui %sign3A_235 : i1 to i32
    %sign3A_237 = arith.constant 0 : i32
    %sign3A_238 = arith.cmpi slt, %jit3A_225, %sign3A_237 : i32
    %sign3A_239 = arith.extui %sign3A_238 : i1 to i32
    %sign3A_240 = arith.subi %sign3A_236, %sign3A_239 : i32
    %ne3A_241 = arith.cmpi ne, %sign3A_233, %sign3A_240 : i32
    %rem3A_242 = arith.remsi %sub3A_224, %jit3A_225 : i32
    %ne3A_243 = arith.constant 0 : i32
    %ne3A_244 = arith.cmpi ne, %rem3A_242, %ne3A_243 : i32
    %and3A_245 = arith.andi %ne3A_241, %ne3A_244 : i1
    %sub3A_246 = arith.constant 1 : i32
    %sub3A_247 = arith.subi %div3A_226, %sub3A_246 : i32
    %select_n3A_248 = arith.select %and3A_245, %sub3A_247, %div3A_226 : i32
    %mul3A_249 = arith.constant 1024 : i32
    %mul3A_250 = arith.muli %select_n3A_248, %mul3A_249 : i32
    %eq3A_251 = arith.constant 3 : i32
    %eq3A_252 = vector.broadcast %eq3A_251 : i32 to vector<32x128xi32>
    %eq3A_253 = arith.cmpi eq, %get3A_1, %eq3A_252 : vector<32x128xi32>
    %add3A_254 = vector.broadcast %add3A_196 : i32 to vector<32x128xi32>
    %add3A_255 = arith.addi %add3A_254, %convert_element_type3A_214 : vector<32x128xi32>
    %jit3A_256 = arith.constant 0 : i32
    %broadcast_in_dim3A_257 = vector.broadcast %jit3A_256 : i32 to vector<32x128xi32>
    %select_n3A_258 = arith.select %eq3A_253, %add3A_255, %broadcast_in_dim3A_257 : vector<32x128xi1>, vector<32x128xi32>
    %add3A_259 = arith.addi %add3A_195, %select_n3A_258 : vector<32x128xi32>
    %add3A_260 = arith.addi %add3A_196, %mul3A_250 : i32
    %eq3A_261 = arith.constant 4 : i32
    %eq3A_262 = vector.broadcast %eq3A_261 : i32 to vector<32x128xi32>
    %eq3A_263 = arith.cmpi eq, %get3A_1, %eq3A_262 : vector<32x128xi32>
    %jit3A_264 = arith.constant 1.000000e+00 : f32
    %jit3A_265 = arith.constant 0.000000e+00 : f32
    %broadcast_in_dim3A_266 = vector.broadcast %jit3A_264 : f32 to vector<32x128xf32>
    %broadcast_in_dim3A_267 = vector.broadcast %jit3A_265 : f32 to vector<32x128xf32>
    %select_n3A_268 = arith.select %eq3A_263, %broadcast_in_dim3A_266, %broadcast_in_dim3A_267 : vector<32x128xi1>, vector<32x128xf32>
    %dot_general3A_269 = arith.constant dense<0.000000e+00> : vector<32x128xf32>
    %dot_general3A_270 = tpu.matmul %select_n3A_268, %select_n3A, %dot_general3A_269 {dimension_numbers = #tpu.dot_dimension_numbers<[1], [0], [0], [1], [0, 0, 1, 1], [], []>, transpose_lhs_hint = false} : vector<32x128xf32>, vector<128x128xf32>, vector<32x128xf32> -> vector<32x128xf32>
    %reduce_sum3A_271 = arith.constant dense<0.000000e+00> : vector<32xf32>
    %reduce_sum3A_272 = vector.multi_reduction <add>, %select_n3A_268, %reduce_sum3A_271 [1] : vector<32x128xf32> to vector<32xf32>
    %broadcast_in_dim3A_273 = vector.shape_cast %reduce_sum3A_272 : vector<32xf32> to vector<32x1xf32>
    %dot_general3A_274 = arith.constant dense<0.000000e+00> : vector<32x1xf32>
    %dot_general3A_275 = tpu.matmul %select_n3A_12, %broadcast_in_dim3A_273, %dot_general3A_274 {dimension_numbers = #tpu.dot_dimension_numbers<[1], [0], [0], [1], [0, 0, 1, 1], [], []>, transpose_lhs_hint = false} : vector<32x32xf32>, vector<32x1xf32>, vector<32x1xf32> -> vector<32x1xf32>
    %add3A_276 = vector.broadcast %dot_general3A_275 : vector<32x1xf32> to vector<32x128xf32>
    %add3A_277 = arith.addf %dot_general3A_270, %add3A_276 : vector<32x128xf32>
    %convert_element_type3A_278 = arith.fptosi %add3A_277 : vector<32x128xf32> to vector<32x128xi32>
    %reduce_sum3A_279 = vector.shape_cast %broadcast_in_dim3A_273 : vector<32x1xf32> to vector<1x32x1xf32>
    %reduce_sum3A_280 = arith.constant dense<0.000000e+00> : vector<1xf32>
    %reduce_sum3A_281 = vector.multi_reduction <add>, %reduce_sum3A_279, %reduce_sum3A_280 [1, 2] : vector<1x32x1xf32> to vector<1xf32>
    %reduce_sum3A_282 = vector.shape_cast %reduce_sum3A_281 : vector<1xf32> to vector<1x1x1xf32>
    %reduce_sum3A_283 = vector.extract %reduce_sum3A_282[0, 0, 0] : f32 from vector<1x1x1xf32>
    %convert_element_type3A_284 = arith.fptosi %reduce_sum3A_283 : f32 to i32
    %add3A_285 = arith.constant 1024 : i32
    %add3A_286 = arith.addi %convert_element_type3A_284, %add3A_285 : i32
    %sub3A_287 = arith.constant 1 : i32
    %sub3A_288 = arith.subi %add3A_286, %sub3A_287 : i32
    %jit3A_289 = arith.constant 1024 : i32
    %div3A_290 = arith.divsi %sub3A_288, %jit3A_289 : i32
    %sign3A_291 = arith.constant 0 : i32
    %sign3A_292 = arith.cmpi sgt, %sub3A_288, %sign3A_291 : i32
    %sign3A_293 = arith.extui %sign3A_292 : i1 to i32
    %sign3A_294 = arith.constant 0 : i32
    %sign3A_295 = arith.cmpi slt, %sub3A_288, %sign3A_294 : i32
    %sign3A_296 = arith.extui %sign3A_295 : i1 to i32
    %sign3A_297 = arith.subi %sign3A_293, %sign3A_296 : i32
    %sign3A_298 = arith.constant 0 : i32
    %sign3A_299 = arith.cmpi sgt, %jit3A_289, %sign3A_298 : i32
    %sign3A_300 = arith.extui %sign3A_299 : i1 to i32
    %sign3A_301 = arith.constant 0 : i32
    %sign3A_302 = arith.cmpi slt, %jit3A_289, %sign3A_301 : i32
    %sign3A_303 = arith.extui %sign3A_302 : i1 to i32
    %sign3A_304 = arith.subi %sign3A_300, %sign3A_303 : i32
    %ne3A_305 = arith.cmpi ne, %sign3A_297, %sign3A_304 : i32
    %rem3A_306 = arith.remsi %sub3A_288, %jit3A_289 : i32
    %ne3A_307 = arith.constant 0 : i32
    %ne3A_308 = arith.cmpi ne, %rem3A_306, %ne3A_307 : i32
    %and3A_309 = arith.andi %ne3A_305, %ne3A_308 : i1
    %sub3A_310 = arith.constant 1 : i32
    %sub3A_311 = arith.subi %div3A_290, %sub3A_310 : i32
    %select_n3A_312 = arith.select %and3A_309, %sub3A_311, %div3A_290 : i32
    %mul3A_313 = arith.constant 1024 : i32
    %mul3A_314 = arith.muli %select_n3A_312, %mul3A_313 : i32
    %eq3A_315 = arith.constant 4 : i32
    %eq3A_316 = vector.broadcast %eq3A_315 : i32 to vector<32x128xi32>
    %eq3A_317 = arith.cmpi eq, %get3A_1, %eq3A_316 : vector<32x128xi32>
    %add3A_318 = vector.broadcast %add3A_260 : i32 to vector<32x128xi32>
    %add3A_319 = arith.addi %add3A_318, %convert_element_type3A_278 : vector<32x128xi32>
    %jit3A_320 = arith.constant 0 : i32
    %broadcast_in_dim3A_321 = vector.broadcast %jit3A_320 : i32 to vector<32x128xi32>
    %select_n3A_322 = arith.select %eq3A_317, %add3A_319, %broadcast_in_dim3A_321 : vector<32x128xi1>, vector<32x128xi32>
    %add3A_323 = arith.addi %add3A_259, %select_n3A_322 : vector<32x128xi32>
    %add3A_324 = arith.addi %add3A_260, %mul3A_314 : i32
    %eq3A_325 = arith.constant 5 : i32
    %eq3A_326 = vector.broadcast %eq3A_325 : i32 to vector<32x128xi32>
    %eq3A_327 = arith.cmpi eq, %get3A_1, %eq3A_326 : vector<32x128xi32>
    %jit3A_328 = arith.constant 1.000000e+00 : f32
    %jit3A_329 = arith.constant 0.000000e+00 : f32
    %broadcast_in_dim3A_330 = vector.broadcast %jit3A_328 : f32 to vector<32x128xf32>
    %broadcast_in_dim3A_331 = vector.broadcast %jit3A_329 : f32 to vector<32x128xf32>
    %select_n3A_332 = arith.select %eq3A_327, %broadcast_in_dim3A_330, %broadcast_in_dim3A_331 : vector<32x128xi1>, vector<32x128xf32>
    %dot_general3A_333 = arith.constant dense<0.000000e+00> : vector<32x128xf32>
    %dot_general3A_334 = tpu.matmul %select_n3A_332, %select_n3A, %dot_general3A_333 {dimension_numbers = #tpu.dot_dimension_numbers<[1], [0], [0], [1], [0, 0, 1, 1], [], []>, transpose_lhs_hint = false} : vector<32x128xf32>, vector<128x128xf32>, vector<32x128xf32> -> vector<32x128xf32>
    %reduce_sum3A_335 = arith.constant dense<0.000000e+00> : vector<32xf32>
    %reduce_sum3A_336 = vector.multi_reduction <add>, %select_n3A_332, %reduce_sum3A_335 [1] : vector<32x128xf32> to vector<32xf32>
    %broadcast_in_dim3A_337 = vector.shape_cast %reduce_sum3A_336 : vector<32xf32> to vector<32x1xf32>
    %dot_general3A_338 = arith.constant dense<0.000000e+00> : vector<32x1xf32>
    %dot_general3A_339 = tpu.matmul %select_n3A_12, %broadcast_in_dim3A_337, %dot_general3A_338 {dimension_numbers = #tpu.dot_dimension_numbers<[1], [0], [0], [1], [0, 0, 1, 1], [], []>, transpose_lhs_hint = false} : vector<32x32xf32>, vector<32x1xf32>, vector<32x1xf32> -> vector<32x1xf32>
    %add3A_340 = vector.broadcast %dot_general3A_339 : vector<32x1xf32> to vector<32x128xf32>
    %add3A_341 = arith.addf %dot_general3A_334, %add3A_340 : vector<32x128xf32>
    %convert_element_type3A_342 = arith.fptosi %add3A_341 : vector<32x128xf32> to vector<32x128xi32>
    %reduce_sum3A_343 = vector.shape_cast %broadcast_in_dim3A_337 : vector<32x1xf32> to vector<1x32x1xf32>
    %reduce_sum3A_344 = arith.constant dense<0.000000e+00> : vector<1xf32>
    %reduce_sum3A_345 = vector.multi_reduction <add>, %reduce_sum3A_343, %reduce_sum3A_344 [1, 2] : vector<1x32x1xf32> to vector<1xf32>
    %reduce_sum3A_346 = vector.shape_cast %reduce_sum3A_345 : vector<1xf32> to vector<1x1x1xf32>
    %reduce_sum3A_347 = vector.extract %reduce_sum3A_346[0, 0, 0] : f32 from vector<1x1x1xf32>
    %convert_element_type3A_348 = arith.fptosi %reduce_sum3A_347 : f32 to i32
    %add3A_349 = arith.constant 1024 : i32
    %add3A_350 = arith.addi %convert_element_type3A_348, %add3A_349 : i32
    %sub3A_351 = arith.constant 1 : i32
    %sub3A_352 = arith.subi %add3A_350, %sub3A_351 : i32
    %jit3A_353 = arith.constant 1024 : i32
    %div3A_354 = arith.divsi %sub3A_352, %jit3A_353 : i32
    %sign3A_355 = arith.constant 0 : i32
    %sign3A_356 = arith.cmpi sgt, %sub3A_352, %sign3A_355 : i32
    %sign3A_357 = arith.extui %sign3A_356 : i1 to i32
    %sign3A_358 = arith.constant 0 : i32
    %sign3A_359 = arith.cmpi slt, %sub3A_352, %sign3A_358 : i32
    %sign3A_360 = arith.extui %sign3A_359 : i1 to i32
    %sign3A_361 = arith.subi %sign3A_357, %sign3A_360 : i32
    %sign3A_362 = arith.constant 0 : i32
    %sign3A_363 = arith.cmpi sgt, %jit3A_353, %sign3A_362 : i32
    %sign3A_364 = arith.extui %sign3A_363 : i1 to i32
    %sign3A_365 = arith.constant 0 : i32
    %sign3A_366 = arith.cmpi slt, %jit3A_353, %sign3A_365 : i32
    %sign3A_367 = arith.extui %sign3A_366 : i1 to i32
    %sign3A_368 = arith.subi %sign3A_364, %sign3A_367 : i32
    %ne3A_369 = arith.cmpi ne, %sign3A_361, %sign3A_368 : i32
    %rem3A_370 = arith.remsi %sub3A_352, %jit3A_353 : i32
    %ne3A_371 = arith.constant 0 : i32
    %ne3A_372 = arith.cmpi ne, %rem3A_370, %ne3A_371 : i32
    %and3A_373 = arith.andi %ne3A_369, %ne3A_372 : i1
    %sub3A_374 = arith.constant 1 : i32
    %sub3A_375 = arith.subi %div3A_354, %sub3A_374 : i32
    %select_n3A_376 = arith.select %and3A_373, %sub3A_375, %div3A_354 : i32
    %mul3A_377 = arith.constant 1024 : i32
    %mul3A_378 = arith.muli %select_n3A_376, %mul3A_377 : i32
    %eq3A_379 = arith.constant 5 : i32
    %eq3A_380 = vector.broadcast %eq3A_379 : i32 to vector<32x128xi32>
    %eq3A_381 = arith.cmpi eq, %get3A_1, %eq3A_380 : vector<32x128xi32>
    %add3A_382 = vector.broadcast %add3A_324 : i32 to vector<32x128xi32>
    %add3A_383 = arith.addi %add3A_382, %convert_element_type3A_342 : vector<32x128xi32>
    %jit3A_384 = arith.constant 0 : i32
    %broadcast_in_dim3A_385 = vector.broadcast %jit3A_384 : i32 to vector<32x128xi32>
    %select_n3A_386 = arith.select %eq3A_381, %add3A_383, %broadcast_in_dim3A_385 : vector<32x128xi1>, vector<32x128xi32>
    %add3A_387 = arith.addi %add3A_323, %select_n3A_386 : vector<32x128xi32>
    %add3A_388 = arith.addi %add3A_324, %mul3A_378 : i32
    %eq3A_389 = arith.constant 6 : i32
    %eq3A_390 = vector.broadcast %eq3A_389 : i32 to vector<32x128xi32>
    %eq3A_391 = arith.cmpi eq, %get3A_1, %eq3A_390 : vector<32x128xi32>
    %jit3A_392 = arith.constant 1.000000e+00 : f32
    %jit3A_393 = arith.constant 0.000000e+00 : f32
    %broadcast_in_dim3A_394 = vector.broadcast %jit3A_392 : f32 to vector<32x128xf32>
    %broadcast_in_dim3A_395 = vector.broadcast %jit3A_393 : f32 to vector<32x128xf32>
    %select_n3A_396 = arith.select %eq3A_391, %broadcast_in_dim3A_394, %broadcast_in_dim3A_395 : vector<32x128xi1>, vector<32x128xf32>
    %dot_general3A_397 = arith.constant dense<0.000000e+00> : vector<32x128xf32>
    %dot_general3A_398 = tpu.matmul %select_n3A_396, %select_n3A, %dot_general3A_397 {dimension_numbers = #tpu.dot_dimension_numbers<[1], [0], [0], [1], [0, 0, 1, 1], [], []>, transpose_lhs_hint = false} : vector<32x128xf32>, vector<128x128xf32>, vector<32x128xf32> -> vector<32x128xf32>
    %reduce_sum3A_399 = arith.constant dense<0.000000e+00> : vector<32xf32>
    %reduce_sum3A_400 = vector.multi_reduction <add>, %select_n3A_396, %reduce_sum3A_399 [1] : vector<32x128xf32> to vector<32xf32>
    %broadcast_in_dim3A_401 = vector.shape_cast %reduce_sum3A_400 : vector<32xf32> to vector<32x1xf32>
    %dot_general3A_402 = arith.constant dense<0.000000e+00> : vector<32x1xf32>
    %dot_general3A_403 = tpu.matmul %select_n3A_12, %broadcast_in_dim3A_401, %dot_general3A_402 {dimension_numbers = #tpu.dot_dimension_numbers<[1], [0], [0], [1], [0, 0, 1, 1], [], []>, transpose_lhs_hint = false} : vector<32x32xf32>, vector<32x1xf32>, vector<32x1xf32> -> vector<32x1xf32>
    %add3A_404 = vector.broadcast %dot_general3A_403 : vector<32x1xf32> to vector<32x128xf32>
    %add3A_405 = arith.addf %dot_general3A_398, %add3A_404 : vector<32x128xf32>
    %convert_element_type3A_406 = arith.fptosi %add3A_405 : vector<32x128xf32> to vector<32x128xi32>
    %reduce_sum3A_407 = vector.shape_cast %broadcast_in_dim3A_401 : vector<32x1xf32> to vector<1x32x1xf32>
    %reduce_sum3A_408 = arith.constant dense<0.000000e+00> : vector<1xf32>
    %reduce_sum3A_409 = vector.multi_reduction <add>, %reduce_sum3A_407, %reduce_sum3A_408 [1, 2] : vector<1x32x1xf32> to vector<1xf32>
    %reduce_sum3A_410 = vector.shape_cast %reduce_sum3A_409 : vector<1xf32> to vector<1x1x1xf32>
    %reduce_sum3A_411 = vector.extract %reduce_sum3A_410[0, 0, 0] : f32 from vector<1x1x1xf32>
    %convert_element_type3A_412 = arith.fptosi %reduce_sum3A_411 : f32 to i32
    %add3A_413 = arith.constant 1024 : i32
    %add3A_414 = arith.addi %convert_element_type3A_412, %add3A_413 : i32
    %sub3A_415 = arith.constant 1 : i32
    %sub3A_416 = arith.subi %add3A_414, %sub3A_415 : i32
    %jit3A_417 = arith.constant 1024 : i32
    %div3A_418 = arith.divsi %sub3A_416, %jit3A_417 : i32
    %sign3A_419 = arith.constant 0 : i32
    %sign3A_420 = arith.cmpi sgt, %sub3A_416, %sign3A_419 : i32
    %sign3A_421 = arith.extui %sign3A_420 : i1 to i32
    %sign3A_422 = arith.constant 0 : i32
    %sign3A_423 = arith.cmpi slt, %sub3A_416, %sign3A_422 : i32
    %sign3A_424 = arith.extui %sign3A_423 : i1 to i32
    %sign3A_425 = arith.subi %sign3A_421, %sign3A_424 : i32
    %sign3A_426 = arith.constant 0 : i32
    %sign3A_427 = arith.cmpi sgt, %jit3A_417, %sign3A_426 : i32
    %sign3A_428 = arith.extui %sign3A_427 : i1 to i32
    %sign3A_429 = arith.constant 0 : i32
    %sign3A_430 = arith.cmpi slt, %jit3A_417, %sign3A_429 : i32
    %sign3A_431 = arith.extui %sign3A_430 : i1 to i32
    %sign3A_432 = arith.subi %sign3A_428, %sign3A_431 : i32
    %ne3A_433 = arith.cmpi ne, %sign3A_425, %sign3A_432 : i32
    %rem3A_434 = arith.remsi %sub3A_416, %jit3A_417 : i32
    %ne3A_435 = arith.constant 0 : i32
    %ne3A_436 = arith.cmpi ne, %rem3A_434, %ne3A_435 : i32
    %and3A_437 = arith.andi %ne3A_433, %ne3A_436 : i1
    %sub3A_438 = arith.constant 1 : i32
    %sub3A_439 = arith.subi %div3A_418, %sub3A_438 : i32
    %select_n3A_440 = arith.select %and3A_437, %sub3A_439, %div3A_418 : i32
    %mul3A_441 = arith.constant 1024 : i32
    %mul3A_442 = arith.muli %select_n3A_440, %mul3A_441 : i32
    %eq3A_443 = arith.constant 6 : i32
    %eq3A_444 = vector.broadcast %eq3A_443 : i32 to vector<32x128xi32>
    %eq3A_445 = arith.cmpi eq, %get3A_1, %eq3A_444 : vector<32x128xi32>
    %add3A_446 = vector.broadcast %add3A_388 : i32 to vector<32x128xi32>
    %add3A_447 = arith.addi %add3A_446, %convert_element_type3A_406 : vector<32x128xi32>
    %jit3A_448 = arith.constant 0 : i32
    %broadcast_in_dim3A_449 = vector.broadcast %jit3A_448 : i32 to vector<32x128xi32>
    %select_n3A_450 = arith.select %eq3A_445, %add3A_447, %broadcast_in_dim3A_449 : vector<32x128xi1>, vector<32x128xi32>
    %add3A_451 = arith.addi %add3A_387, %select_n3A_450 : vector<32x128xi32>
    %add3A_452 = arith.addi %add3A_388, %mul3A_442 : i32
    %eq3A_453 = arith.constant 7 : i32
    %eq3A_454 = vector.broadcast %eq3A_453 : i32 to vector<32x128xi32>
    %eq3A_455 = arith.cmpi eq, %get3A_1, %eq3A_454 : vector<32x128xi32>
    %jit3A_456 = arith.constant 1.000000e+00 : f32
    %jit3A_457 = arith.constant 0.000000e+00 : f32
    %broadcast_in_dim3A_458 = vector.broadcast %jit3A_456 : f32 to vector<32x128xf32>
    %broadcast_in_dim3A_459 = vector.broadcast %jit3A_457 : f32 to vector<32x128xf32>
    %select_n3A_460 = arith.select %eq3A_455, %broadcast_in_dim3A_458, %broadcast_in_dim3A_459 : vector<32x128xi1>, vector<32x128xf32>
    %dot_general3A_461 = arith.constant dense<0.000000e+00> : vector<32x128xf32>
    %dot_general3A_462 = tpu.matmul %select_n3A_460, %select_n3A, %dot_general3A_461 {dimension_numbers = #tpu.dot_dimension_numbers<[1], [0], [0], [1], [0, 0, 1, 1], [], []>, transpose_lhs_hint = false} : vector<32x128xf32>, vector<128x128xf32>, vector<32x128xf32> -> vector<32x128xf32>
    %reduce_sum3A_463 = arith.constant dense<0.000000e+00> : vector<32xf32>
    %reduce_sum3A_464 = vector.multi_reduction <add>, %select_n3A_460, %reduce_sum3A_463 [1] : vector<32x128xf32> to vector<32xf32>
    %broadcast_in_dim3A_465 = vector.shape_cast %reduce_sum3A_464 : vector<32xf32> to vector<32x1xf32>
    %dot_general3A_466 = arith.constant dense<0.000000e+00> : vector<32x1xf32>
    %dot_general3A_467 = tpu.matmul %select_n3A_12, %broadcast_in_dim3A_465, %dot_general3A_466 {dimension_numbers = #tpu.dot_dimension_numbers<[1], [0], [0], [1], [0, 0, 1, 1], [], []>, transpose_lhs_hint = false} : vector<32x32xf32>, vector<32x1xf32>, vector<32x1xf32> -> vector<32x1xf32>
    %add3A_468 = vector.broadcast %dot_general3A_467 : vector<32x1xf32> to vector<32x128xf32>
    %add3A_469 = arith.addf %dot_general3A_462, %add3A_468 : vector<32x128xf32>
    %convert_element_type3A_470 = arith.fptosi %add3A_469 : vector<32x128xf32> to vector<32x128xi32>
    %reduce_sum3A_471 = vector.shape_cast %broadcast_in_dim3A_465 : vector<32x1xf32> to vector<1x32x1xf32>
    %reduce_sum3A_472 = arith.constant dense<0.000000e+00> : vector<1xf32>
    %reduce_sum3A_473 = vector.multi_reduction <add>, %reduce_sum3A_471, %reduce_sum3A_472 [1, 2] : vector<1x32x1xf32> to vector<1xf32>
    %reduce_sum3A_474 = vector.shape_cast %reduce_sum3A_473 : vector<1xf32> to vector<1x1x1xf32>
    %reduce_sum3A_475 = vector.extract %reduce_sum3A_474[0, 0, 0] : f32 from vector<1x1x1xf32>
    %convert_element_type3A_476 = arith.fptosi %reduce_sum3A_475 : f32 to i32
    %add3A_477 = arith.constant 1024 : i32
    %add3A_478 = arith.addi %convert_element_type3A_476, %add3A_477 : i32
    %sub3A_479 = arith.constant 1 : i32
    %sub3A_480 = arith.subi %add3A_478, %sub3A_479 : i32
    %jit3A_481 = arith.constant 1024 : i32
    %div3A_482 = arith.divsi %sub3A_480, %jit3A_481 : i32
    %sign3A_483 = arith.constant 0 : i32
    %sign3A_484 = arith.cmpi sgt, %sub3A_480, %sign3A_483 : i32
    %sign3A_485 = arith.extui %sign3A_484 : i1 to i32
    %sign3A_486 = arith.constant 0 : i32
    %sign3A_487 = arith.cmpi slt, %sub3A_480, %sign3A_486 : i32
    %sign3A_488 = arith.extui %sign3A_487 : i1 to i32
    %sign3A_489 = arith.subi %sign3A_485, %sign3A_488 : i32
    %sign3A_490 = arith.constant 0 : i32
    %sign3A_491 = arith.cmpi sgt, %jit3A_481, %sign3A_490 : i32
    %sign3A_492 = arith.extui %sign3A_491 : i1 to i32
    %sign3A_493 = arith.constant 0 : i32
    %sign3A_494 = arith.cmpi slt, %jit3A_481, %sign3A_493 : i32
    %sign3A_495 = arith.extui %sign3A_494 : i1 to i32
    %sign3A_496 = arith.subi %sign3A_492, %sign3A_495 : i32
    %ne3A_497 = arith.cmpi ne, %sign3A_489, %sign3A_496 : i32
    %rem3A_498 = arith.remsi %sub3A_480, %jit3A_481 : i32
    %ne3A_499 = arith.constant 0 : i32
    %ne3A_500 = arith.cmpi ne, %rem3A_498, %ne3A_499 : i32
    %and3A_501 = arith.andi %ne3A_497, %ne3A_500 : i1
    %sub3A_502 = arith.constant 1 : i32
    %sub3A_503 = arith.subi %div3A_482, %sub3A_502 : i32
    %select_n3A_504 = arith.select %and3A_501, %sub3A_503, %div3A_482 : i32
    %mul3A_505 = arith.constant 1024 : i32
    %mul3A_506 = arith.muli %select_n3A_504, %mul3A_505 : i32
    %eq3A_507 = arith.constant 7 : i32
    %eq3A_508 = vector.broadcast %eq3A_507 : i32 to vector<32x128xi32>
    %eq3A_509 = arith.cmpi eq, %get3A_1, %eq3A_508 : vector<32x128xi32>
    %add3A_510 = vector.broadcast %add3A_452 : i32 to vector<32x128xi32>
    %add3A_511 = arith.addi %add3A_510, %convert_element_type3A_470 : vector<32x128xi32>
    %jit3A_512 = arith.constant 0 : i32
    %broadcast_in_dim3A_513 = vector.broadcast %jit3A_512 : i32 to vector<32x128xi32>
    %select_n3A_514 = arith.select %eq3A_509, %add3A_511, %broadcast_in_dim3A_513 : vector<32x128xi1>, vector<32x128xi32>
    %add3A_515 = arith.addi %add3A_451, %select_n3A_514 : vector<32x128xi32>
    %add3A_516 = arith.addi %add3A_452, %mul3A_506 : i32
    %swap3A = arith.constant 0 : index
    %swap3A_517 = arith.constant 0 : index
    %swap3A_518 = vector.load %arg1[%swap3A, %swap3A_517] : memref<32x128xi32, #tpu.memory_space<vmem>>, vector<32x128xi32>
    tpu.vector_store %arg1[%swap3A, %swap3A_517], %add3A_515 {strides = array<i32>} : memref<32x128xi32, #tpu.memory_space<vmem>>, vector<32x128xi32>,
    %iota3A_519 = tpu.iota {dimensions = array<i32: 1>} : vector<8x128xi32>
    %iota3A_520 = tpu.iota {dimensions = array<i32: 0>} : vector<8x128xi32>
    %jit3A_521 = arith.constant 1024 : i32
    %div3A_522 = arith.divsi %add3A_516, %jit3A_521 : i32
    %sign3A_523 = arith.constant 0 : i32
    %sign3A_524 = arith.cmpi sgt, %add3A_516, %sign3A_523 : i32
    %sign3A_525 = arith.extui %sign3A_524 : i1 to i32
    %sign3A_526 = arith.constant 0 : i32
    %sign3A_527 = arith.cmpi slt, %add3A_516, %sign3A_526 : i32
    %sign3A_528 = arith.extui %sign3A_527 : i1 to i32
    %sign3A_529 = arith.subi %sign3A_525, %sign3A_528 : i32
    %sign3A_530 = arith.constant 0 : i32
    %sign3A_531 = arith.cmpi sgt, %jit3A_521, %sign3A_530 : i32
    %sign3A_532 = arith.extui %sign3A_531 : i1 to i32
    %sign3A_533 = arith.constant 0 : i32
    %sign3A_534 = arith.cmpi slt, %jit3A_521, %sign3A_533 : i32
    %sign3A_535 = arith.extui %sign3A_534 : i1 to i32
    %sign3A_536 = arith.subi %sign3A_532, %sign3A_535 : i32
    %ne3A_537 = arith.cmpi ne, %sign3A_529, %sign3A_536 : i32
    %rem3A_538 = arith.remsi %add3A_516, %jit3A_521 : i32
    %ne3A_539 = arith.constant 0 : i32
    %ne3A_540 = arith.cmpi ne, %rem3A_538, %ne3A_539 : i32
    %and3A_541 = arith.andi %ne3A_537, %ne3A_540 : i1
    %sub3A_542 = arith.constant 1 : i32
    %sub3A_543 = arith.subi %div3A_522, %sub3A_542 : i32
    %select_n3A_544 = arith.select %and3A_541, %sub3A_543, %div3A_522 : i32
    %sub3A_545 = arith.constant 1 : i32
    %sub3A_546 = arith.subi %select_n3A_544, %sub3A_545 : i32
    %min3A = vector.broadcast %sub3A_546 : i32 to vector<8x128xi32>
    %min3A_547 = arith.minsi %iota3A_519, %min3A : vector<8x128xi32>
    %mul3A_548 = arith.constant 1024 : i32
    %mul3A_549 = vector.broadcast %mul3A_548 : i32 to vector<8x128xi32>
    %mul3A_550 = arith.muli %iota3A_519, %mul3A_549 : vector<8x128xi32>
    %sub3A_551 = arith.constant 1024 : i32
    %sub3A_552 = arith.subi %add3A_516, %sub3A_551 : i32
    %min3A_553 = vector.broadcast %sub3A_552 : i32 to vector<8x128xi32>
    %min3A_554 = arith.minsi %mul3A_550, %min3A_553 : vector<8x128xi32>
    %broadcast_in_dim3A_555 = arith.constant 0 : i32
    %broadcast_in_dim3A_556 = vector.broadcast %broadcast_in_dim3A_555 : i32 to vector<8x128xi32>
    %ge3A = vector.broadcast %add3A_68 : i32 to vector<8x128xi32>
    %ge3A_557 = arith.cmpi sge, %min3A_554, %ge3A : vector<8x128xi32>
    %jit3A_558 = arith.constant 1 : i32
    %jit3A_559 = arith.constant 0 : i32
    %broadcast_in_dim3A_560 = vector.broadcast %jit3A_558 : i32 to vector<8x128xi32>
    %broadcast_in_dim3A_561 = vector.broadcast %jit3A_559 : i32 to vector<8x128xi32>
    %select_n3A_562 = arith.select %ge3A_557, %broadcast_in_dim3A_560, %broadcast_in_dim3A_561 : vector<8x128xi1>, vector<8x128xi32>
    %add3A_563 = arith.addi %broadcast_in_dim3A_556, %select_n3A_562 : vector<8x128xi32>
    %ge3A_564 = vector.broadcast %add3A_132 : i32 to vector<8x128xi32>
    %ge3A_565 = arith.cmpi sge, %min3A_554, %ge3A_564 : vector<8x128xi32>
    %jit3A_566 = arith.constant 1 : i32
    %jit3A_567 = arith.constant 0 : i32
    %broadcast_in_dim3A_568 = vector.broadcast %jit3A_566 : i32 to vector<8x128xi32>
    %broadcast_in_dim3A_569 = vector.broadcast %jit3A_567 : i32 to vector<8x128xi32>
    %select_n3A_570 = arith.select %ge3A_565, %broadcast_in_dim3A_568, %broadcast_in_dim3A_569 : vector<8x128xi1>, vector<8x128xi32>
    %add3A_571 = arith.addi %add3A_563, %select_n3A_570 : vector<8x128xi32>
    %ge3A_572 = vector.broadcast %add3A_196 : i32 to vector<8x128xi32>
    %ge3A_573 = arith.cmpi sge, %min3A_554, %ge3A_572 : vector<8x128xi32>
    %jit3A_574 = arith.constant 1 : i32
    %jit3A_575 = arith.constant 0 : i32
    %broadcast_in_dim3A_576 = vector.broadcast %jit3A_574 : i32 to vector<8x128xi32>
    %broadcast_in_dim3A_577 = vector.broadcast %jit3A_575 : i32 to vector<8x128xi32>
    %select_n3A_578 = arith.select %ge3A_573, %broadcast_in_dim3A_576, %broadcast_in_dim3A_577 : vector<8x128xi1>, vector<8x128xi32>
    %add3A_579 = arith.addi %add3A_571, %select_n3A_578 : vector<8x128xi32>
    %ge3A_580 = vector.broadcast %add3A_260 : i32 to vector<8x128xi32>
    %ge3A_581 = arith.cmpi sge, %min3A_554, %ge3A_580 : vector<8x128xi32>
    %jit3A_582 = arith.constant 1 : i32
    %jit3A_583 = arith.constant 0 : i32
    %broadcast_in_dim3A_584 = vector.broadcast %jit3A_582 : i32 to vector<8x128xi32>
    %broadcast_in_dim3A_585 = vector.broadcast %jit3A_583 : i32 to vector<8x128xi32>
    %select_n3A_586 = arith.select %ge3A_581, %broadcast_in_dim3A_584, %broadcast_in_dim3A_585 : vector<8x128xi1>, vector<8x128xi32>
    %add3A_587 = arith.addi %add3A_579, %select_n3A_586 : vector<8x128xi32>
    %ge3A_588 = vector.broadcast %add3A_324 : i32 to vector<8x128xi32>
    %ge3A_589 = arith.cmpi sge, %min3A_554, %ge3A_588 : vector<8x128xi32>
    %jit3A_590 = arith.constant 1 : i32
    %jit3A_591 = arith.constant 0 : i32
    %broadcast_in_dim3A_592 = vector.broadcast %jit3A_590 : i32 to vector<8x128xi32>
    %broadcast_in_dim3A_593 = vector.broadcast %jit3A_591 : i32 to vector<8x128xi32>
    %select_n3A_594 = arith.select %ge3A_589, %broadcast_in_dim3A_592, %broadcast_in_dim3A_593 : vector<8x128xi1>, vector<8x128xi32>
    %add3A_595 = arith.addi %add3A_587, %select_n3A_594 : vector<8x128xi32>
    %ge3A_596 = vector.broadcast %add3A_388 : i32 to vector<8x128xi32>
    %ge3A_597 = arith.cmpi sge, %min3A_554, %ge3A_596 : vector<8x128xi32>
    %jit3A_598 = arith.constant 1 : i32
    %jit3A_599 = arith.constant 0 : i32
    %broadcast_in_dim3A_600 = vector.broadcast %jit3A_598 : i32 to vector<8x128xi32>
    %broadcast_in_dim3A_601 = vector.broadcast %jit3A_599 : i32 to vector<8x128xi32>
    %select_n3A_602 = arith.select %ge3A_597, %broadcast_in_dim3A_600, %broadcast_in_dim3A_601 : vector<8x128xi1>, vector<8x128xi32>
    %add3A_603 = arith.addi %add3A_595, %select_n3A_602 : vector<8x128xi32>
    %ge3A_604 = vector.broadcast %add3A_452 : i32 to vector<8x128xi32>
    %ge3A_605 = arith.cmpi sge, %min3A_554, %ge3A_604 : vector<8x128xi32>
    %jit3A_606 = arith.constant 1 : i32
    %jit3A_607 = arith.constant 0 : i32
    %broadcast_in_dim3A_608 = vector.broadcast %jit3A_606 : i32 to vector<8x128xi32>
    %broadcast_in_dim3A_609 = vector.broadcast %jit3A_607 : i32 to vector<8x128xi32>
    %select_n3A_610 = arith.select %ge3A_605, %broadcast_in_dim3A_608, %broadcast_in_dim3A_609 : vector<8x128xi1>, vector<8x128xi32>
    %add3A_611 = arith.addi %add3A_603, %select_n3A_610 : vector<8x128xi32>
    %ge3A_612 = vector.broadcast %add3A_516 : i32 to vector<8x128xi32>
    %ge3A_613 = arith.cmpi sge, %min3A_554, %ge3A_612 : vector<8x128xi32>
    %jit3A_614 = arith.constant 1 : i32
    %jit3A_615 = arith.constant 0 : i32
    %broadcast_in_dim3A_616 = vector.broadcast %jit3A_614 : i32 to vector<8x128xi32>
    %broadcast_in_dim3A_617 = vector.broadcast %jit3A_615 : i32 to vector<8x128xi32>
    %select_n3A_618 = arith.select %ge3A_613, %broadcast_in_dim3A_616, %broadcast_in_dim3A_617 : vector<8x128xi1>, vector<8x128xi32>
    %add3A_619 = arith.addi %add3A_611, %select_n3A_618 : vector<8x128xi32>
    %min3A_620 = arith.constant 7 : i32
    %min3A_621 = vector.broadcast %min3A_620 : i32 to vector<8x128xi32>
    %min3A_622 = arith.minsi %add3A_619, %min3A_621 : vector<8x128xi32>
    %mul3A_623 = arith.constant 1024 : i32
    %mul3A_624 = vector.broadcast %mul3A_623 : i32 to vector<8x128xi32>
    %mul3A_625 = arith.muli %iota3A_519, %mul3A_624 : vector<8x128xi32>
    %lt3A_626 = vector.broadcast %add3A_516 : i32 to vector<8x128xi32>
    %lt3A_627 = arith.cmpi slt, %mul3A_625, %lt3A_626 : vector<8x128xi32>
    %lt3A_628 = arith.constant 12 : i32
    %lt3A_629 = vector.broadcast %lt3A_628 : i32 to vector<8x128xi32>
    %lt3A_630 = arith.cmpi slt, %iota3A_519, %lt3A_629 : vector<8x128xi32>
    %and3A_631 = arith.andi %lt3A_627, %lt3A_630 : vector<8x128xi1>
    %jit3A_632 = arith.constant 1 : i32
    %jit3A_633 = arith.constant 0 : i32
    %broadcast_in_dim3A_634 = vector.broadcast %jit3A_632 : i32 to vector<8x128xi32>
    %broadcast_in_dim3A_635 = vector.broadcast %jit3A_633 : i32 to vector<8x128xi32>
    %select_n3A_636 = arith.select %and3A_631, %broadcast_in_dim3A_634, %broadcast_in_dim3A_635 : vector<8x128xi1>, vector<8x128xi32>
    %eq3A_637 = arith.constant 0 : i32
    %eq3A_638 = vector.broadcast %eq3A_637 : i32 to vector<8x128xi32>
    %eq3A_639 = arith.cmpi eq, %iota3A_520, %eq3A_638 : vector<8x128xi32>
    %eq3A_640 = arith.constant 1 : i32
    %eq3A_641 = vector.broadcast %eq3A_640 : i32 to vector<8x128xi32>
    %eq3A_642 = arith.cmpi eq, %iota3A_520, %eq3A_641 : vector<8x128xi32>
    %eq3A_643 = arith.constant 2 : i32
    %eq3A_644 = vector.broadcast %eq3A_643 : i32 to vector<8x128xi32>
    %eq3A_645 = arith.cmpi eq, %iota3A_520, %eq3A_644 : vector<8x128xi32>
    %jit3A_646 = arith.constant 0 : i32
    %broadcast_in_dim3A_647 = vector.broadcast %jit3A_646 : i32 to vector<8x128xi32>
    %select_n3A_648 = arith.select %eq3A_645, %min3A_547, %broadcast_in_dim3A_647 : vector<8x128xi1>, vector<8x128xi32>
    %select_n3A_649 = arith.select %eq3A_642, %select_n3A_636, %select_n3A_648 : vector<8x128xi1>, vector<8x128xi32>
    %select_n3A_650 = arith.select %eq3A_639, %min3A_622, %select_n3A_649 : vector<8x128xi1>, vector<8x128xi32>
    %swap3A_651 = arith.constant 0 : index
    %swap3A_652 = arith.constant 0 : index
    %swap3A_653 = vector.load %arg2[%swap3A_651, %swap3A_652] : memref<8x128xi32, #tpu.memory_space<vmem>>, vector<8x128xi32>
    tpu.vector_store %arg2[%swap3A_651, %swap3A_652], %select_n3A_650 {strides = array<i32>} : memref<8x128xi32, #tpu.memory_space<vmem>>, vector<8x128xi32>,
    return
  }
}

module attributes {stable_mosaic.version = 14 : i64} {
  func.func @_mlp_kernel(%arg0: i32, %arg1: memref<12xi32, #tpu.memory_space<smem>>, %arg2: memref<12xi32, #tpu.memory_space<smem>>, %arg3: memref<12xi32, #tpu.memory_space<smem>>, %arg4: memref<1024x1024xf32, #tpu.memory_space<vmem>>, %arg5: memref<1024x128xf32, #tpu.memory_space<vmem>>, %arg6: memref<1x1027x512xf32, #tpu.memory_space<vmem>>, %arg7: memref<1x1x512xf32, #tpu.memory_space<vmem>>, %arg8: memref<1x512x128xbf16, #tpu.memory_space<vmem>>, %arg9: memref<1x1x128xf32, #tpu.memory_space<vmem>>, %arg10: memref<1x1x1xf32, #tpu.memory_space<vmem>>, %arg11: memref<1024x128xf32, #tpu.memory_space<vmem>>) attributes {dimension_semantics = [#tpu.dimension_semantics<arbitrary>], iteration_bounds = array<i64: 12>, scalar_prefetch = 3 : i64, scratch_operands = 0 : i64, tpu.core_type = #tpu.core_type<tc>, window_params = [{transform_indices = @transform_0, window_bounds = array<i64: 1024, 1024>}, {transform_indices = @transform_1, window_bounds = array<i64: 1024, 128>}, {transform_indices = @transform_2, window_bounds = array<i64: 1, 1027, 512>}, {transform_indices = @transform_3, window_bounds = array<i64: 1, 1, 512>}, {transform_indices = @transform_4, window_bounds = array<i64: 1, 512, 128>}, {transform_indices = @transform_5, window_bounds = array<i64: 1, 1, 128>}, {transform_indices = @transform_6, window_bounds = array<i64: 1, 1, 1>}, {transform_indices = @transform_7, window_bounds = array<i64: 1024, 128>}]} {
    %get3A = arith.index_cast %arg0 : i32 to index
    %get3A_0 = memref.load %arg1[%get3A] : memref<12xi32, #tpu.memory_space<smem>>
    %get3A_1 = arith.index_cast %arg0 : i32 to index
    %get3A_2 = memref.load %arg2[%get3A_1] : memref<12xi32, #tpu.memory_space<smem>>
    %eq3A = arith.constant 1 : i32
    %eq3A_3 = arith.cmpi eq, %get3A_2, %eq3A : i32
    %convert_element_type3A = arith.extui %eq3A_3 : i1 to i32
    %cond3A = arith.constant 0 : i32
    %cond3A_4 = arith.cmpi ne, %convert_element_type3A, %cond3A : i32
    scf.if %cond3A_4 {
      %get3A_5 = arith.constant 0 : index
      %get3A_6 = arith.constant 0 : index
      %get3A_7 = vector.load %arg5[%get3A_5, %get3A_6] : memref<1024x128xf32, #tpu.memory_space<vmem>>, vector<1024x128xf32>
      %iota3A = tpu.iota {dimensions = array<i32: 1>} : vector<1024x128xi32>
      %jit3A = arith.constant 8 : i32
      %div3A = vector.broadcast %jit3A : i32 to vector<1024x128xi32>
      %div3A_8 = arith.divsi %iota3A, %div3A : vector<1024x128xi32>
      %sign3A = arith.constant 0 : i32
      %sign3A_9 = vector.broadcast %sign3A : i32 to vector<1024x128xi32>
      %sign3A_10 = arith.cmpi sgt, %iota3A, %sign3A_9 : vector<1024x128xi32>
      %sign3A_11 = arith.extui %sign3A_10 : vector<1024x128xi1> to vector<1024x128xi32>
      %sign3A_12 = arith.constant 0 : i32
      %sign3A_13 = vector.broadcast %sign3A_12 : i32 to vector<1024x128xi32>
      %sign3A_14 = arith.cmpi slt, %iota3A, %sign3A_13 : vector<1024x128xi32>
      %sign3A_15 = arith.extui %sign3A_14 : vector<1024x128xi1> to vector<1024x128xi32>
      %sign3A_16 = arith.subi %sign3A_11, %sign3A_15 : vector<1024x128xi32>
      %sign3A_17 = arith.constant 0 : i32
      %sign3A_18 = arith.cmpi sgt, %jit3A, %sign3A_17 : i32
      %sign3A_19 = arith.extui %sign3A_18 : i1 to i32
      %sign3A_20 = arith.constant 0 : i32
      %sign3A_21 = arith.cmpi slt, %jit3A, %sign3A_20 : i32
      %sign3A_22 = arith.extui %sign3A_21 : i1 to i32
      %sign3A_23 = arith.subi %sign3A_19, %sign3A_22 : i32
      %ne3A = vector.broadcast %sign3A_23 : i32 to vector<1024x128xi32>
      %ne3A_24 = arith.cmpi ne, %sign3A_16, %ne3A : vector<1024x128xi32>
      %rem3A = vector.broadcast %jit3A : i32 to vector<1024x128xi32>
      %rem3A_25 = arith.remsi %iota3A, %rem3A : vector<1024x128xi32>
      %ne3A_26 = arith.constant 0 : i32
      %ne3A_27 = vector.broadcast %ne3A_26 : i32 to vector<1024x128xi32>
      %ne3A_28 = arith.cmpi ne, %rem3A_25, %ne3A_27 : vector<1024x128xi32>
      %and3A = arith.andi %ne3A_24, %ne3A_28 : vector<1024x128xi1>
      %sub3A = arith.constant 1 : i32
      %sub3A_29 = vector.broadcast %sub3A : i32 to vector<1024x128xi32>
      %sub3A_30 = arith.subi %div3A_8, %sub3A_29 : vector<1024x128xi32>
      %select_n3A = arith.select %and3A, %sub3A_30, %div3A_8 : vector<1024x128xi1>, vector<1024x128xi32>
      %eq3A_31 = vector.broadcast %get3A_0 : i32 to vector<1024x128xi32>
      %eq3A_32 = arith.cmpi eq, %select_n3A, %eq3A_31 : vector<1024x128xi32>
      %jit3A_33 = arith.constant 0xFF800000 : f32
      %broadcast_in_dim3A = vector.broadcast %jit3A_33 : f32 to vector<1024x128xf32>
      %select_n3A_34 = arith.select %eq3A_32, %get3A_7, %broadcast_in_dim3A : vector<1024x128xi1>, vector<1024x128xf32>
      %reduce_max3A = arith.constant dense<0xFF800000> : vector<1024xf32>
      %reduce_max3A_35 = vector.multi_reduction <maximumf>, %select_n3A_34, %reduce_max3A [1] : vector<1024x128xf32> to vector<1024xf32>
      %broadcast_in_dim3A_36 = vector.shape_cast %reduce_max3A_35 : vector<1024xf32> to vector<1024x1xf32>
      %sub3A_37 = vector.broadcast %broadcast_in_dim3A_36 : vector<1024x1xf32> to vector<1024x128xf32>
      %sub3A_38 = arith.subf %select_n3A_34, %sub3A_37 : vector<1024x128xf32>
      %exp3A = math.exp %sub3A_38 : vector<1024x128xf32>
      %jit3A_39 = arith.constant 0.000000e+00 : f32
      %broadcast_in_dim3A_40 = vector.broadcast %jit3A_39 : f32 to vector<1024x128xf32>
      %select_n3A_41 = arith.select %eq3A_32, %exp3A, %broadcast_in_dim3A_40 : vector<1024x128xi1>, vector<1024x128xf32>
      %reduce_sum3A = arith.constant dense<0.000000e+00> : vector<1024xf32>
      %reduce_sum3A_42 = vector.multi_reduction <add>, %select_n3A_41, %reduce_sum3A [1] : vector<1024x128xf32> to vector<1024xf32>
      %broadcast_in_dim3A_43 = vector.shape_cast %reduce_sum3A_42 : vector<1024xf32> to vector<1024x1xf32>
      %div3A_44 = vector.broadcast %broadcast_in_dim3A_43 : vector<1024x1xf32> to vector<1024x128xf32>
      %div3A_45 = arith.divf %select_n3A_41, %div3A_44 : vector<1024x128xf32>
      %reduce_max3A_46 = arith.constant dense<0xFF800000> : vector<1024xf32>
      %reduce_max3A_47 = vector.multi_reduction <maximumf>, %div3A_45, %reduce_max3A_46 [1] : vector<1024x128xf32> to vector<1024xf32>
      %broadcast_in_dim3A_48 = vector.shape_cast %reduce_max3A_47 : vector<1024xf32> to vector<1024x1xf32>
      %max3A = arith.constant 9.99999996E-13 : f32
      %max3A_49 = vector.broadcast %max3A : f32 to vector<1024x128xf32>
      %max3A_50 = arith.maximumf %div3A_45, %max3A_49 : vector<1024x128xf32>
      %log3A = math.log %max3A_50 : vector<1024x128xf32>
      %mul3A = arith.mulf %div3A_45, %log3A : vector<1024x128xf32>
      %jit3A_51 = arith.constant 0.000000e+00 : f32
      %broadcast_in_dim3A_52 = vector.broadcast %jit3A_51 : f32 to vector<1024x128xf32>
      %select_n3A_53 = arith.select %eq3A_32, %mul3A, %broadcast_in_dim3A_52 : vector<1024x128xi1>, vector<1024x128xf32>
      %reduce_sum3A_54 = arith.constant dense<0.000000e+00> : vector<1024xf32>
      %reduce_sum3A_55 = vector.multi_reduction <add>, %select_n3A_53, %reduce_sum3A_54 [1] : vector<1024x128xf32> to vector<1024xf32>
      %broadcast_in_dim3A_56 = vector.shape_cast %reduce_sum3A_55 : vector<1024xf32> to vector<1024x1xf32>
      %neg3A = arith.constant 0.000000e+00 : f32
      %neg3A_57 = vector.broadcast %neg3A : f32 to vector<1024x1xf32>
      %neg3A_58 = arith.subf %neg3A_57, %broadcast_in_dim3A_56 : vector<1024x1xf32>
      %eq3A_59 = vector.broadcast %broadcast_in_dim3A_48 : vector<1024x1xf32> to vector<1024x128xf32>
      %eq3A_60 = arith.cmpf oeq, %div3A_45, %eq3A_59 : vector<1024x128xf32>
      %and3A_61 = arith.andi %eq3A_32, %eq3A_60 : vector<1024x128xi1>
      %jit3A_62 = arith.constant 1.000000e+00 : f32
      %jit3A_63 = arith.constant 0.000000e+00 : f32
      %broadcast_in_dim3A_64 = vector.broadcast %jit3A_62 : f32 to vector<1024x128xf32>
      %broadcast_in_dim3A_65 = vector.broadcast %jit3A_63 : f32 to vector<1024x128xf32>
      %select_n3A_66 = arith.select %and3A_61, %broadcast_in_dim3A_64, %broadcast_in_dim3A_65 : vector<1024x128xi1>, vector<1024x128xf32>
      %reduce_sum3A_67 = arith.constant dense<0.000000e+00> : vector<1024xf32>
      %reduce_sum3A_68 = vector.multi_reduction <add>, %select_n3A_66, %reduce_sum3A_67 [1] : vector<1024x128xf32> to vector<1024xf32>
      %broadcast_in_dim3A_69 = vector.shape_cast %reduce_sum3A_68 : vector<1024xf32> to vector<1024x1xf32>
      %ne3A_70 = vector.broadcast %broadcast_in_dim3A_48 : vector<1024x1xf32> to vector<1024x128xf32>
      %ne3A_71 = arith.cmpf one, %div3A_45, %ne3A_70 : vector<1024x128xf32>
      %and3A_72 = arith.andi %eq3A_32, %ne3A_71 : vector<1024x128xi1>
      %jit3A_73 = arith.constant 0xFF800000 : f32
      %broadcast_in_dim3A_74 = vector.broadcast %jit3A_73 : f32 to vector<1024x128xf32>
      %select_n3A_75 = arith.select %and3A_72, %div3A_45, %broadcast_in_dim3A_74 : vector<1024x128xi1>, vector<1024x128xf32>
      %reduce_max3A_76 = arith.constant dense<0xFF800000> : vector<1024xf32>
      %reduce_max3A_77 = vector.multi_reduction <maximumf>, %select_n3A_75, %reduce_max3A_76 [1] : vector<1024x128xf32> to vector<1024xf32>
      %broadcast_in_dim3A_78 = vector.shape_cast %reduce_max3A_77 : vector<1024xf32> to vector<1024x1xf32>
      %gt3A = arith.constant 1.000000e+00 : f32
      %gt3A_79 = vector.broadcast %gt3A : f32 to vector<1024x1xf32>
      %gt3A_80 = arith.cmpf ogt, %broadcast_in_dim3A_69, %gt3A_79 : vector<1024x1xf32>
      %sub3A_81 = arith.subf %broadcast_in_dim3A_48, %broadcast_in_dim3A_78 : vector<1024x1xf32>
      %jit3A_82 = arith.constant 0.000000e+00 : f32
      %broadcast_in_dim3A_83 = vector.broadcast %jit3A_82 : f32 to vector<1024x1xf32>
      %select_n3A_84 = arith.select %gt3A_80, %broadcast_in_dim3A_83, %sub3A_81 : vector<1024x1xi1>, vector<1024x1xf32>
      %get3A_85 = arith.constant 0 : index
      %get3A_86 = arith.constant 0 : index
      %get3A_87 = arith.constant 0 : index
      %get3A_88 = vector.load %arg6[%get3A_85, %get3A_86, %get3A_87] : memref<1x1027x512xf32, #tpu.memory_space<vmem>>, vector<1x1027x512xf32>
      %get3A_89 = vector.shape_cast %get3A_88 : vector<1x1027x512xf32> to vector<1027x512xf32>
      %get3A_90 = arith.constant 0 : index
      %get3A_91 = arith.constant 0 : index
      %get3A_92 = vector.load %arg4[%get3A_90, %get3A_91] : memref<1024x1024xf32, #tpu.memory_space<vmem>>, vector<1024x1024xf32>
      %convert_element_type3A_93 = arith.truncf %get3A_92 : vector<1024x1024xf32> to vector<1024x1024xbf16>
      %slice3A = vector.extract_strided_slice %get3A_89 {offsets = [0, 0], sizes = [1024, 512], strides = [1, 1]} : vector<1027x512xf32> to vector<1024x512xf32>
      %convert_element_type3A_94 = arith.truncf %slice3A : vector<1024x512xf32> to vector<1024x512xbf16>
      %dot_general3A = arith.constant dense<0.000000e+00> : vector<1024x512xf32>
      %dot_general3A_95 = tpu.matmul %convert_element_type3A_93, %convert_element_type3A_94, %dot_general3A {dimension_numbers = #tpu.dot_dimension_numbers<[1], [0], [0], [1], [0, 0, 1, 1], [], []>, transpose_lhs_hint = false} : vector<1024x1024xbf16>, vector<1024x512xbf16>, vector<1024x512xf32> -> vector<1024x512xf32>
      %slice3A_96 = vector.extract_strided_slice %get3A_89 {offsets = [1024, 0], sizes = [1, 512], strides = [1, 1]} : vector<1027x512xf32> to vector<1x512xf32>
      %mul3A_97 = vector.broadcast %broadcast_in_dim3A_48 : vector<1024x1xf32> to vector<1024x512xf32>
      %mul3A_98 = vector.broadcast %slice3A_96 : vector<1x512xf32> to vector<1024x512xf32>
      %mul3A_99 = arith.mulf %mul3A_97, %mul3A_98 : vector<1024x512xf32>
      %slice3A_100 = vector.extract_strided_slice %get3A_89 {offsets = [1025, 0], sizes = [1, 512], strides = [1, 1]} : vector<1027x512xf32> to vector<1x512xf32>
      %mul3A_101 = vector.broadcast %neg3A_58 : vector<1024x1xf32> to vector<1024x512xf32>
      %mul3A_102 = vector.broadcast %slice3A_100 : vector<1x512xf32> to vector<1024x512xf32>
      %mul3A_103 = arith.mulf %mul3A_101, %mul3A_102 : vector<1024x512xf32>
      %add3A = arith.addf %mul3A_99, %mul3A_103 : vector<1024x512xf32>
      %slice3A_104 = vector.extract_strided_slice %get3A_89 {offsets = [1026, 0], sizes = [1, 512], strides = [1, 1]} : vector<1027x512xf32> to vector<1x512xf32>
      %mul3A_105 = vector.broadcast %select_n3A_84 : vector<1024x1xf32> to vector<1024x512xf32>
      %mul3A_106 = vector.broadcast %slice3A_104 : vector<1x512xf32> to vector<1024x512xf32>
      %mul3A_107 = arith.mulf %mul3A_105, %mul3A_106 : vector<1024x512xf32>
      %add3A_108 = arith.addf %add3A, %mul3A_107 : vector<1024x512xf32>
      %add3A_109 = arith.addf %dot_general3A_95, %add3A_108 : vector<1024x512xf32>
      %get3A_110 = arith.constant 0 : index
      %get3A_111 = arith.constant 0 : index
      %get3A_112 = arith.constant 0 : index
      %get3A_113 = vector.load %arg7[%get3A_110, %get3A_111, %get3A_112] : memref<1x1x512xf32, #tpu.memory_space<vmem>>, vector<1x1x512xf32>
      %get3A_114 = vector.shape_cast %get3A_113 : vector<1x1x512xf32> to vector<1x512xf32>
      %add3A_115 = vector.broadcast %get3A_114 : vector<1x512xf32> to vector<1024x512xf32>
      %add3A_116 = arith.addf %add3A_109, %add3A_115 : vector<1024x512xf32>
      %max3A_117 = arith.constant 0.000000e+00 : f32
      %max3A_118 = vector.broadcast %max3A_117 : f32 to vector<1024x512xf32>
      %max3A_119 = arith.maximumf %add3A_116, %max3A_118 : vector<1024x512xf32>
      %convert_element_type3A_120 = arith.truncf %max3A_119 : vector<1024x512xf32> to vector<1024x512xbf16>
      %get3A_121 = arith.constant 0 : index
      %get3A_122 = arith.constant 0 : index
      %get3A_123 = arith.constant 0 : index
      %get3A_124 = vector.load %arg8[%get3A_121, %get3A_122, %get3A_123] : memref<1x512x128xbf16, #tpu.memory_space<vmem>>, vector<1x512x128xbf16>
      %get3A_125 = vector.shape_cast %get3A_124 : vector<1x512x128xbf16> to vector<512x128xbf16>
      %dot_general3A_126 = arith.constant dense<0.000000e+00> : vector<1024x128xf32>
      %dot_general3A_127 = tpu.matmul %convert_element_type3A_120, %get3A_125, %dot_general3A_126 {dimension_numbers = #tpu.dot_dimension_numbers<[1], [0], [0], [1], [0, 0, 1, 1], [], []>, transpose_lhs_hint = false} : vector<1024x512xbf16>, vector<512x128xbf16>, vector<1024x128xf32> -> vector<1024x128xf32>
      %get3A_128 = arith.constant 0 : index
      %get3A_129 = arith.constant 0 : index
      %get3A_130 = arith.constant 0 : index
      %get3A_131 = vector.load %arg9[%get3A_128, %get3A_129, %get3A_130] : memref<1x1x128xf32, #tpu.memory_space<vmem>>, vector<1x1x128xf32>
      %get3A_132 = vector.shape_cast %get3A_131 : vector<1x1x128xf32> to vector<1x128xf32>
      %add3A_133 = vector.broadcast %get3A_132 : vector<1x128xf32> to vector<1024x128xf32>
      %add3A_134 = arith.addf %dot_general3A_127, %add3A_133 : vector<1024x128xf32>
      %get3A_135 = arith.constant 0 : index
      %get3A_136 = arith.constant 0 : index
      %get3A_137 = arith.constant 0 : index
      %get3A_138 = vector.load %arg10[%get3A_135, %get3A_136, %get3A_137] : memref<1x1x1xf32, #tpu.memory_space<vmem>>, vector<1x1x1xf32>
      %get3A_139 = vector.extract %get3A_138[0, 0, 0] : f32 from vector<1x1x1xf32>
      %mul3A_140 = vector.broadcast %get3A_139 : f32 to vector<1024x128xf32>
      %mul3A_141 = arith.mulf %add3A_134, %mul3A_140 : vector<1024x128xf32>
      %add3A_142 = arith.addf %get3A_7, %mul3A_141 : vector<1024x128xf32>
      %swap3A = arith.constant 0 : index
      %swap3A_143 = arith.constant 0 : index
      %swap3A_144 = vector.load %arg11[%swap3A, %swap3A_143] : memref<1024x128xf32, #tpu.memory_space<vmem>>, vector<1024x128xf32>
      tpu.vector_store %arg11[%swap3A, %swap3A_143], %add3A_142 {strides = array<i32>} : memref<1024x128xf32, #tpu.memory_space<vmem>>, vector<1024x128xf32>,
    } else {
    }
    return
  }
  func.func @transform_0(%arg0: i32, %arg1: memref<12xi32, #tpu.memory_space<smem>>, %arg2: memref<12xi32, #tpu.memory_space<smem>>, %arg3: memref<12xi32, #tpu.memory_space<smem>>) -> (i32, i32) {
    %get3A = arith.index_cast %arg0 : i32 to index
    %get3A_0 = memref.load %arg3[%get3A] : memref<12xi32, #tpu.memory_space<smem>>
    %c0_i32 = arith.constant 0 : i32
    %c0_i32_1 = arith.constant 0 : i32
    return %get3A_0, %c0_i32 : i32, i32
  }
  func.func @transform_1(%arg0: i32, %arg1: memref<12xi32, #tpu.memory_space<smem>>, %arg2: memref<12xi32, #tpu.memory_space<smem>>, %arg3: memref<12xi32, #tpu.memory_space<smem>>) -> (i32, i32) {
    %get3A = arith.index_cast %arg0 : i32 to index
    %get3A_0 = memref.load %arg3[%get3A] : memref<12xi32, #tpu.memory_space<smem>>
    %c0_i32 = arith.constant 0 : i32
    %c0_i32_1 = arith.constant 0 : i32
    return %get3A_0, %c0_i32 : i32, i32
  }
  func.func @transform_2(%arg0: i32, %arg1: memref<12xi32, #tpu.memory_space<smem>>, %arg2: memref<12xi32, #tpu.memory_space<smem>>, %arg3: memref<12xi32, #tpu.memory_space<smem>>) -> (i32, i32, i32) {
    %get3A = arith.index_cast %arg0 : i32 to index
    %get3A_0 = memref.load %arg1[%get3A] : memref<12xi32, #tpu.memory_space<smem>>
    %c0_i32 = arith.constant 0 : i32
    %c0_i32_1 = arith.constant 0 : i32
    %c0_i32_2 = arith.constant 0 : i32
    return %get3A_0, %c0_i32, %c0_i32_1 : i32, i32, i32
  }
  func.func @transform_3(%arg0: i32, %arg1: memref<12xi32, #tpu.memory_space<smem>>, %arg2: memref<12xi32, #tpu.memory_space<smem>>, %arg3: memref<12xi32, #tpu.memory_space<smem>>) -> (i32, i32, i32) {
    %get3A = arith.index_cast %arg0 : i32 to index
    %get3A_0 = memref.load %arg1[%get3A] : memref<12xi32, #tpu.memory_space<smem>>
    %c0_i32 = arith.constant 0 : i32
    %c0_i32_1 = arith.constant 0 : i32
    %c0_i32_2 = arith.constant 0 : i32
    return %get3A_0, %c0_i32, %c0_i32_1 : i32, i32, i32
  }
  func.func @transform_4(%arg0: i32, %arg1: memref<12xi32, #tpu.memory_space<smem>>, %arg2: memref<12xi32, #tpu.memory_space<smem>>, %arg3: memref<12xi32, #tpu.memory_space<smem>>) -> (i32, i32, i32) {
    %get3A = arith.index_cast %arg0 : i32 to index
    %get3A_0 = memref.load %arg1[%get3A] : memref<12xi32, #tpu.memory_space<smem>>
    %c0_i32 = arith.constant 0 : i32
    %c0_i32_1 = arith.constant 0 : i32
    %c0_i32_2 = arith.constant 0 : i32
    return %get3A_0, %c0_i32, %c0_i32_1 : i32, i32, i32
  }
  func.func @transform_5(%arg0: i32, %arg1: memref<12xi32, #tpu.memory_space<smem>>, %arg2: memref<12xi32, #tpu.memory_space<smem>>, %arg3: memref<12xi32, #tpu.memory_space<smem>>) -> (i32, i32, i32) {
    %get3A = arith.index_cast %arg0 : i32 to index
    %get3A_0 = memref.load %arg1[%get3A] : memref<12xi32, #tpu.memory_space<smem>>
    %c0_i32 = arith.constant 0 : i32
    %c0_i32_1 = arith.constant 0 : i32
    %c0_i32_2 = arith.constant 0 : i32
    return %get3A_0, %c0_i32, %c0_i32_1 : i32, i32, i32
  }
  func.func @transform_6(%arg0: i32, %arg1: memref<12xi32, #tpu.memory_space<smem>>, %arg2: memref<12xi32, #tpu.memory_space<smem>>, %arg3: memref<12xi32, #tpu.memory_space<smem>>) -> (i32, i32, i32) {
    %get3A = arith.index_cast %arg0 : i32 to index
    %get3A_0 = memref.load %arg1[%get3A] : memref<12xi32, #tpu.memory_space<smem>>
    %c0_i32 = arith.constant 0 : i32
    %c0_i32_1 = arith.constant 0 : i32
    %c0_i32_2 = arith.constant 0 : i32
    return %get3A_0, %c0_i32, %c0_i32_1 : i32, i32, i32
  }
  func.func @transform_7(%arg0: i32, %arg1: memref<12xi32, #tpu.memory_space<smem>>, %arg2: memref<12xi32, #tpu.memory_space<smem>>, %arg3: memref<12xi32, #tpu.memory_space<smem>>) -> (i32, i32) {
    %get3A = arith.index_cast %arg0 : i32 to index
    %get3A_0 = memref.load %arg3[%get3A] : memref<12xi32, #tpu.memory_space<smem>>
    %c0_i32 = arith.constant 0 : i32
    %c0_i32_1 = arith.constant 0 : i32
    return %get3A_0, %c0_i32 : i32, i32
  }
}

</mosaic_0001>

<sc_bundles>
// kernel: kernel.6.cloned.1.call-start
scs
__scs_entry_jumppad:
0x0: {  	(pc) =	sbr.rel $0x88, $3  }
0x1: {  	(tag) =	ssettag $0x0;
	lr =	simm.s32 $0x1  }
0x2: {  	[smem:$0x3F99] =	sst lr;
	_ =	strace $0xD0000000  }
0x3: {  	_ = 	snop  }
0x4: {  	_ = 	snop  }
0x5: {  	_ = 	snop  }
0x6: {  	_ = 	snop  }
0x7: {  	_ = 	snop  }
__scs_overlays_trampoline_lowered:
0x8: {  	[smem:$0x3FA8] =	sst s0  }
0x9: {  	[smem:$0x3FA9] =	sst s1  }
0xa: {  	[smem:$0x3FAA] =	sst s2  }
0xb: {  	[smem:$0x3FAB] =	sst s3  }
0xc: {  	[smem:$0x3FAC] =	sst s4  }
0xd: {  	[smem:$0x3FAD] =	sst s5  }
0xe: {  	[smem:$0x3FAE] =	sst s6  }
0xf: {  	[smem:$0x3FAF] =	sst s7  }
0x10: {  	[smem:$0x3FB0] =	sst s8  }
0x11: {  	[smem:$0x3FB1] =	sst s9;
	s0 =	simm.s32 @!p0 $0x0  }
0x12: {  	s1 =	sld [smem:$0x3F97];
	s0 =	simm.s32 @p0 $0x1  }
0x13: {  	[smem:$0x3FB2] =	sst s0;
	s0 =	simm.s32 @!p1 $0x0  }
0x14: {  	s2 =	sld [smem:$0x3F96];
	s0 =	simm.s32 @p1 $0x1  }
0x15: {  	[smem:$0x3FB3] =	sst s0;
	s0 =	simm.s32 @!p2 $0x0  }
0x16: {  	s3 =	sld [smem:$0x3FDB];
	s0 =	simm.s32 @p2 $0x1  }
0x17: {  	s4 =	simm.s32 $0x1BF5;
	[smem:$0x3FB5] =	sst s0  }
0x18: {  	s0 =	sld [smem:$0x3F98];
	_ =	swait.ge [sflag:s4], $0x0  }
0x19: {  	s7 =	sld [smem:$0x3F99]  }
0x1a: {  	s8 =	sadd.s32 $0xFFFFE003, lr  }
0x1b: {  	s9 =	sadd.s32 $0xFFFFFEF7, lr;
	s5 =	simm.s32 $0xFFFFFFFF;
	p2 =	slt.u32 s8, $0xFFFFF086  }
0x1c: {  	p1 =	slt.u32 s9, $0xF7A;
	s5 =	simm.s32 @!p2 $0x0  }
0x1d: {  	s5 =	simm.s32 @p1 $0x1;
	p0 =	seq.s32 s7, s2  }
0x1e: {  	s7 =	smul.u32 @!p0 $0xF7A, s2;
	p2 =	seq.s32 @!p0 s5, $0x0  }
0x1f: {  	s9 =	smul.u32 $0xF7A, s1;
	s8 =	simm.s32 @!p0 $0x1BF5;
	p2 =	por !p2, p0  }
0x20: {  	[sflag:s8] =	ssyncset.s32 @!p0 $0xFFFFF086;
	s6 =	sadd.s32 @!p0 s3, s7;
	s7 =	simm.s32 @!p0 $0x108  }
0x21: {  	s3 =	sadd.s32 s3, s9;
	s6 =	sadd.s32 @!p0 $0x88, s6;
	s7 =	simm.s32 @p2 $0x1082  }
0x22: {  	[simem:s7], [sflag:s8] =	dma.local @!p0 [hbm:s6], $0xF7A  }
0x23: {  	s9 =	sor.u32 $0xD0000000, s2;
	s6 =	simm.s32 $0x108;
	_ =	swait.ge @!p0 [sflag:s8], $0x0  }
0x24: {  	s3 =	sadd.s32 $0x88, s3;
	s6 =	simm.s32 @!p1 $0x1082;
	[sflag:s4] =	ssyncset.s32 $0xFFFFF086  }
0x25: {  	[simem:s6], [sflag:s4] =	dma.local [hbm:s3], $0xF7A  }
0x26: {  	[smem:$0x3F99] =	sst s1;
	(tag) =	ssettag s2;
	_ =	strace s9  }
0x27: {  	s1 =	sld [smem:$0x3FA9]  }
0x28: {  	s2 =	sld [smem:$0x3FAA]  }
0x29: {  	s4 =	sld [smem:$0x3FAC]  }
0x2a: {  	p0 =	seq.s32 s5, $0x0;
	s5 =	sld [smem:$0x3FAD]  }
0x2b: {  	s6 =	sld [smem:$0x3FAE]  }
0x2c: {  	s7 =	sld [smem:$0x3FAF]  }
0x2d: {  	s3 =	simm.s32 $0x108;
	s8 =	sld [smem:$0x3FB0]  }
0x2e: {  	s3 =	simm.s32 @!p0 $0x1082;
	s9 =	sld [smem:$0x3FB1]  }
0x2f: {  	lr =	sadd.s32 s0, s3;
	s0 =	sld [smem:$0x3FA8]  }
0x30: {  	s3 =	sld [smem:$0x3FAB]  }
0x31: {  	[smem:$0x3FB4] =	sst s10  }
0x32: {  	s10 =	sld [smem:$0x3FB2];
	_ =	sdelay $0x3  }
0x33: {  	p0 =	seq.s32 s10, $0x1;
	s10 =	sld [smem:$0x3FB4];
	_ =	sdelay $0x3  }
0x34: {  	[smem:$0x3FB4] =	sst s10  }
0x35: {  	s10 =	sld [smem:$0x3FB3];
	_ =	sdelay $0x3  }
0x36: {  	p1 =	seq.s32 s10, $0x1;
	s10 =	sld [smem:$0x3FB4];
	_ =	sdelay $0x3  }
0x37: {  	[smem:$0x3FB4] =	sst s10  }
0x38: {  	s10 =	sld [smem:$0x3FB5]  }
0x39: {  	_ = 	snop;
	(pc) =	sbr.ind lr, $3  }
0x3a: {  	_ = 	snop  }
0x3b: {  	_ = 	snop  }
0x3c: {  	p2 =	seq.s32 s10, $0x1;
	s10 =	sld [smem:$0x3FB4]  }
0x3d: {  	_ =	shalt  }
0x3e: {  	_ =	shalt  }
0x3f: {  	_ =	shalt  }
0x40: {  	_ =	shalt  }
0x41: {  	_ =	shalt  }
0x42: {  	_ =	shalt  }
0x43: {  	_ =	shalt  }
0x44: {  	_ =	shalt  }
0x45: {  	_ =	shalt  }
0x46: {  	_ =	shalt  }
0x47: {  	_ =	shalt  }
0x48: {  	_ =	shalt  }
0x49: {  	_ =	shalt  }
0x4a: {  	_ =	shalt  }
0x4b: {  	_ =	shalt  }
0x4c: {  	_ =	shalt  }
0x4d: {  	_ =	shalt  }
0x4e: {  	_ =	shalt  }
0x4f: {  	_ =	shalt  }
0x50: {  	_ =	shalt  }
0x51: {  	_ =	shalt  }
0x52: {  	_ =	shalt  }
0x53: {  	_ =	shalt  }
0x54: {  	_ =	shalt  }
0x55: {  	_ =	shalt  }
0x56: {  	_ =	shalt  }
0x57: {  	_ =	shalt  }
0x58: {  	_ =	shalt  }
0x59: {  	_ =	shalt  }
0x5a: {  	_ =	shalt  }
0x5b: {  	_ =	shalt  }
0x5c: {  	_ =	shalt  }
0x5d: {  	_ =	shalt  }
0x5e: {  	_ =	shalt  }
0x5f: {  	_ =	shalt  }
0x60: {  	_ =	shalt  }
0x61: {  	_ =	shalt  }
0x62: {  	_ =	shalt  }
0x63: {  	_ =	shalt  }
0x64: {  	_ =	shalt  }
0x65: {  	_ =	shalt  }
0x66: {  	_ =	shalt  }
0x67: {  	_ =	shalt  }
0x68: {  	_ =	shalt  }
0x69: {  	_ =	shalt  }
0x6a: {  	_ =	shalt  }
0x6b: {  	_ =	shalt  }
0x6c: {  	_ =	shalt  }
0x6d: {  	_ =	shalt  }
0x6e: {  	_ =	shalt  }
0x6f: {  	_ =	shalt  }
0x70: {  	_ =	shalt  }
0x71: {  	_ =	shalt  }
0x72: {  	_ =	shalt  }
0x73: {  	_ =	shalt  }
0x74: {  	_ =	shalt  }
0x75: {  	_ =	shalt  }
0x76: {  	_ =	shalt  }
0x77: {  	_ =	shalt  }
0x78: {  	_ =	shalt  }
0x79: {  	_ =	shalt  }
0x7a: {  	_ =	shalt  }
0x7b: {  	_ =	shalt  }
0x7c: {  	_ =	shalt  }
0x7d: {  	_ =	shalt  }
0x7e: {  	_ =	shalt  }
0x7f: {  	_ =	shalt  }
0x80: {  	_ =	shalt  }
0x81: {  	_ =	shalt  }
0x82: {  	_ =	shalt  }
0x83: {  	_ =	shalt  }
0x84: {  	_ =	shalt  }
0x85: {  	_ =	shalt  }
0x86: {  	_ =	shalt  }
0x87: {  	_ =	shalt  }
.Lfunc_end0:
.L_simem_size_0:
called_computation_lowered:
.L_overlay_start_0:
0x88: {  	s2 =	sld [smem:$0x3FD9]  }
0x89: {  	s3 =	sld [smem:$0x3FFE];
	_ =	sdelay $0x1  }
0x8a: {  	s1 =	srdreg.scid  }
0x8b: {  	s0 =	sand.u32 $0x1, s1  }
0x8c: {  	s17 =	sshll.u32 s0, $0xA;
	s2 =	sadd.s32 s3, s2  }
0x8d: {  	s2 =	sadd.s32 s2, s17  }
0x8e: {  	[smem:$0x3FC0] =	sst s2  }
0x8f: {  	_ = 	snop  }
0x90: {  	s2 =	sld [smem:$0x3FC7]  }
0x91: {  	s18 =	sld [smem:$0x3FD0];
	(tm) =	ssettm $0x1  }
0x92: {  	s4 =	sld [smem:$0x3FFB];
	_ =	sdelay $0x3  }
0x93: {  	_ =	strace s4  }
0x94: {  	s4 =	sld [smem:$0x3FFC];
	_ =	sdelay $0x3  }
0x95: {  	_ =	strace s4  }
0x96: {  	s4 =	sld [smem:$0x3FFD];
	_ =	sdelay $0x3  }
0x97: {  	_ =	strace s4  }
0x98: {  	_ =	strace $0x8FFFFFFF  }
0x99: {  	s19 =	sld [smem:$0x3FDB];
	_ =	sdelay $0x1  }
0x9a: {  	s5 =	simm.s32 $_scs_section_size  }
0x9b: {  	s6 =	simm.s32 $_size__tile_overlayer_lowered;
	s7 =	simm.s32 $_tile_overlayer_lowered  }
0x9c: {  	s22 =	simm.s32 $0x1BFF;
	s21 =	sshll.u32 s7, $0x1;
	s4 =	sadd.s32 s5, s19  }
0x9d: {  	s8 =	simm.s32 $0x0;
	s20 =	sshll.u32 s6, $0x1;
	s6 =	sadd.s32 s21, s4  }
0x9e: {  	[timem:s8], [sflag:s22] =	dma.local [hbm:s6], s20  }
0x9f: {  	_ =	swait.ge [sflag:s22], s20  }
0xa0: {  	s5 =	ssub.s32 $0x0, s20;
	[sflag:s22] =	ssyncset.done $0x0  }
0xa1: {  	[sflag:s22] =	ssyncadd.s32 s5;
	_ =	sdelay $0x1  }
0xa2: {  	s23 =	simm.s32 $0x1B8B  }
0xa3: {  	_ =	swait.ge [sflag:s23], $0x1  }
0xa4: {  	[sflag:s23] =	ssyncset.done $0x0  }
0xa5: {  	s25 =	simm.s32 $0x1B8E;
	s24 =	sld [smem:$0x3FFE];
	[sflag:s23] =	ssyncadd.s32 $0xFFFFFFFF  }
0xa6: {  	s26 =	simm.s32 $execute0_lowered;
	[smem:$0x3FD2] =	sst s25  }
0xa7: {  	s6 =	sshll.u32 s26, $0x1;
	_ =	strace $0x80000046;
	[dreg:$0x1] =	wrdreg $0xFFFFFFFF  }
0xa8: {  	s28 =	simm.s32 $_size_execute0_lowered;
	s4 =	sadd.s32 s4, s6;
	[dreg:$0x0] =	wrdreg $0x0  }
0xa9: {  	s6 =	sshll.u32 s28, $0x1;
	[dreg:$0x2] =	wrdreg s4  }
0xaa: {  	[dreg:$0x3] =	wrdreg s6  }
0xab: {  	[dreg:$0x4] =	wrdreg $0xC0  }
0xac: {  	_ =	task [dreg:s8], $0x5FFFF  }
0xad: {  	[dreg:$0x1] =	wrdreg $0xFFFFFFFF  }
0xae: {  	[dreg:$0x0] =	wrdreg $0x60  }
0xaf: {  	[dreg:$0x2] =	wrdreg s2  }
0xb0: {  	[dreg:$0x3] =	wrdreg s24  }
0xb1: {  	[dreg:$0x4] =	wrdreg s18  }
0xb2: {  	[dreg:$0x5] =	wrdreg $0x9  }
0xb3: {  	_ =	task.clear_ibuf [dreg:s8], $0x6FFFF;
	_ =	strace $0x90000046  }
0xb4: {  	s29 =	simm.s32 $0x9;
	_ =	strace $0x80000048  }
0xb5: {  	_ =	swait.ge [sflag:s29], $0x1  }
0xb6: {  	[sflag:s29] =	ssyncadd.s32 $0xFFFFFFFF  }
0xb7: {  	_ =	strace $0x90000048  }
0xb8: {  	_ =	sfence  }
0xb9: {  	s30 =	sld [smem:$0x0];
	_ =	sdelay $0x2  }
0xba: {  	s31 =	sshll.u32 s1, $0xD;
	s1 =	sshrl.u32 s1, $0x2  }
0xbb: {  	s3 =	sand.u32 $0x4000, s31;
	s1 =	sadd.s32 s1, s30  }
0xbc: {  	s0 =	sor.u32 s3, s0;
	s1 =	sshll.u32 s1, $0x11  }
0xbd: {  	s0 =	sor.u32 s1, s0  }
0xbe: {  	s0 =	sadd.s32 $0x8F2B, s0  }
0xbf: {  	[sflag:s0] =	ssyncadd.remote.s32 $0x1  }
0xc0: {  	_ =	sfence.sel $0xFFFF  }
0xc1: {  	[dreg:$0x0] =	wrdreg $0xFFFFFFFF;
	(pc) =	sbr.abs _section_cstart, $3  }
0xc2: {  	[dreg:$0x1] =	wrdreg $0xFFFFFFFF  }
0xc3: {  	_ =	task.clear_ibuf [dreg:s8], $0x2FFFF;
	_ =	strace $0x9FFFFFFF  }
0xc4: {  	(tm) =	ssettm $0x7FFFFFFF  }
0xc5: {  	_ =	shalt  }
tec
execute0_lowered:
.L_overlay_start_1:
0x0: {  	(tag) =	ssettag $0x1  }
0x1: {  	s1 =	rddreg [dreg:$0x0]  }
0x2: {  	s0 =	rddreg [dreg:$0x1];
	s2 =	srdreg.scid  }
0x3: {  	s3 =	rddreg [dreg:$0x2];
	s5 =	sand.u32 $0x1, s2;
	s2 =	simm.s32 $0x0  }
0x4: {  	s8 =	sadd.s32 $0x13800, s0;
	[smem:$0x7FF] =	sst s2  }
0x5: {  	s16 =	simm.s32 $0x80;
	_ =	strace $0x80000047;
	[dreg:$0x4] =	wrdreg s8  }
0x6: {  	s17 =	simm.s32 $0x8A80;
	[dreg:$0xb] =	wrdreg s16  }
0x7: {  	s18 =	simm.s32 $0x9280;
	[dreg:$0xc] =	wrdreg s17  }
0x8: {  	s19 =	simm.s32 $0x9A80;
	[dreg:$0xd] =	wrdreg s18  }
0x9: {  	s20 =	simm.s32 $0xA280;
	[dreg:$0xe] =	wrdreg s19  }
0xa: {  	s4 =	stileid.u32;
	s21 =	simm.s32 $0xAA80;
	[dreg:$0xf] =	wrdreg s20  }
0xb: {  	s22 =	simm.s32 $0xB280;
	s23 =	simm.s32 $0xBA80;
	[dreg:$0x10] =	wrdreg s21  }
0xc: {  	s24 =	simm.s32 $0xC280;
	s25 =	simm.s32 $0xCA80;
	[dreg:$0x11] =	wrdreg s22  }
0xd: {  	s10 =	simm.s32 $0xF280;
	s11 =	simm.s32 $0xFA80;
	[dreg:$0x12] =	wrdreg s23  }
0xe: {  	s28 =	simm.s32 $0x7A80;
	s29 =	simm.s32 $0x8280;
	[dreg:$0x13] =	wrdreg s24  }
0xf: {  	s30 =	simm.s32 $0x10280;
	s4 =	sshll.u32 s4, $0x1;
	[dreg:$0x14] =	wrdreg s25  }
0x10: {  	s31 =	simm.s32 $0x1;
	s4 =	sor.u32 s5, s4;
	[dreg:$0x19] =	wrdreg s10  }
0x11: {  	s26 =	ssub.s32 $0x2, s5;
	s8 =	simm.s32 $0xE280;
	[dreg:$0x1a] =	wrdreg s11  }
0x12: {  	s6 =	sshll.u32 s4, $0xB;
	s16 =	simm.s32 $0x12A80;
	[dreg:$0x17] =	wrdreg s8  }
0x13: {  	s7 =	sshll.u32 s4, $0x4;
	s17 =	simm.s32 $0x13280;
	[dreg:$0x1f] =	wrdreg s16  }
0x14: {  	s9 =	sshll.u32 s4, $0x6;
	s18 =	simm.s32 $0x13A80;
	[smem:$0x7F4] =	sst s17  }
0x15: {  	s4 =	sshll.u32 s4, $0xE;
	s19 =	simm.s32 $0x14280;
	[smem:$0x7F5] =	sst s18  }
0x16: {  	s5 =	sshrl.u32 s26, $0x1;
	s20 =	simm.s32 $0x14A80;
	[smem:$0x7F6] =	sst s19  }
0x17: {  	s21 =	simm.s32 $0x15280;
	s22 =	simm.s32 $0x15A80;
	[smem:$0x7F7] =	sst s20  }
0x18: {  	s23 =	simm.s32 $0x16280;
	s24 =	simm.s32 $0x16A80;
	[smem:$0x7F8] =	sst s21  }
0x19: {  	s25 =	simm.s32 $0x17280;
	s6 =	sadd.s32 s6, s0;
	[smem:$0x7F9] =	sst s22  }
0x1a: {  	s7 =	sadd.s32 s7, s0;
	s3 =	sadd.s32 s3, s9;
	[smem:$0x7FA] =	sst s23  }
0x1b: {  	s4 =	sadd.s32 s1, s4;
	s9 =	simm.s32 $0xEA80;
	[smem:$0x7FB] =	sst s24  }
0x1c: {  	s16 =	simm.s32 $0x2280;
	s17 =	simm.s32 $0x2A80;
	[smem:$0x7FC] =	sst s25  }
0x1d: {  	s18 =	simm.s32 $0x3280;
	s19 =	simm.s32 $0x3A80;
	[dreg:$0x5] =	wrdreg s3  }
0x1e: {  	s20 =	simm.s32 $0x4280;
	s21 =	simm.s32 $0x4A80;
	[smem:$0x7F3] =	sst s4  }
0x1f: {  	s22 =	simm.s32 $0x5280;
	s12 =	sadd.s32 $0x3600, s7;
	[dreg:$0x18] =	wrdreg s9  }
0x20: {  	s23 =	simm.s32 $0x5A80;
	s13 =	sadd.s32 $0x3800, s6;
	[dreg:$0x6] =	wrdreg s12  }
0x21: {  	s24 =	simm.s32 $0x6280;
	s1 =	sadd.s32 $0x1000, s4;
	[dreg:$0x7] =	wrdreg s13  }
0x22: {  	s25 =	simm.s32 $0x6A80;
	s14 =	sadd.s32 $0x2000, s4;
	[dreg:$0x8] =	wrdreg s1  }
0x23: {  	s15 =	sadd.s32 $0x3000, s4;
	s4 =	sadd.s32 $0x43800, s0;
	[dreg:$0x9] =	wrdreg s14  }
0x24: {  	s6 =	simm.s32 $0xD280;
	s7 =	simm.s32 $0xDA80;
	[dreg:$0xa] =	wrdreg s15  }
0x25: {  	s3 =	ssub.s32 s26, s5;
	s5 =	sadd.s32 $0x43900, s0;
	[dreg:$0x15] =	wrdreg s6  }
0x26: {  	s9 =	simm.s32 $0x5;
	s26 =	simm.s32 $0x17A80;
	[dreg:$0x16] =	wrdreg s7  }
0x27: {  	s6 =	sadd.s32 $0x43A00, s0;
	s7 =	sadd.s32 $0x43B00, s0;
	s8 =	smax.u32 s3, $0x1  }
0x28: {  	s12 =	simm.s32 $0x10A80;
	s13 =	simm.s32 $0x11280;
	[smem:$0x7FD] =	sst s26  }
0x29: {  	s14 =	simm.s32 $0x11A80;
	s15 =	simm.s32 $0x12280;
	[dreg:$0x1b] =	wrdreg s12  }
0x2a: {  	v2 =	vlaneseq.u32;
	s26 =	simm.s32 $0x7280;
	s1 =	simm.s32 $0x2;
	[dreg:$0x1c] =	wrdreg s13  }
0x2b: {  	vm0 =	vmmov $0xffff;
	v1 =	vshrl.u32 v2, $0x3;
	s0 =	simm.s32 $0x3;
	s3 =	simm.s32 $0x4;
	[dreg:$0x1d] =	wrdreg s14  }
0x2c: {  	v0 =	vand.u32 $0x7, v2;
	v2 =	vor.u32 $0x8, v2;
	v1 =	vmul.u32 $0x8, v1;
	s12 =	simm.s32 $0x280;
	[dreg:$0x1e] =	wrdreg s15;
	s15 =	simm.s32 $0x1A80  }
.LBB2_1:
0x2d: {  	s10 =	rddreg [dreg:$0x5]  }
0x2e: {  	[tilespmem:s2], [sflag:$0x5] =	stream.linear.gather [hbm4b:s10+s2], $0x200, $0x38;
	[tilespmem:$0x1C280] =	vst v63  }
0x2f: {  	_ =	swait.ge [sflag:s9], $0x200  }
0x30: {  	[sflag:s9] =	ssyncset.done $0x0  }
0x31: {  	s13 =	simm.s32 $0x200;
	s14 =	rddreg [dreg:$0x6];
	[sflag:s9] =	ssyncadd.s32 $0xFFFFFE00  }
0x32: {  	[tilespmem:s13], [sflag:$0x5] =	stream.linear.gather [hbm4b:s14+s2], $0x80, $0x38;
	[tilespmem:$0x1C280] =	vst v63  }
0x33: {  	_ =	swait.ge [sflag:s9], $0x80  }
0x34: {  	[sflag:s9] =	ssyncset.done $0x0  }
0x35: {  	s14 =	simm.s32 $0x18280;
	s11 =	rddreg [dreg:$0x7];
	[sflag:s9] =	ssyncadd.s32 $0xFFFFFF80  }
0x36: {  	[tilespmem:s14], [sflag:$0x5] =	stream.linear.gather [hbm4b:s11+s2], $0x4000, $0x38;
	[tilespmem:$0x1C280] =	vst v63  }
0x37: {  	_ =	swait.ge [sflag:s9], $0x4000  }
0x38: {  	s10 =	rddreg [dreg:$0x4];
	[sflag:s9] =	ssyncset.done $0x0  }
0x39: {  	s11 =	rddreg [dreg:$0xb];
	[sflag:s9] =	ssyncadd.s32 $0xFFFFC000  }
0x3a: {  	[hbm4b:s10+s11] =	stream.indirect.scatter [tilespmem:s14], [sflag:$0x4], $0x80, s13, s11, $0xb8;
	[tilespmem:$0x1C280] =	vst v63  }
0x3b: {  	s14 =	sld [smem:$0x7F3];
	_ =	sdelay $0x2  }
0x3c: {  	[tilespmem:s12], [sflag:$0x5] =	stream.linear.gather [hbm4b:s14+s2], $0x8000, $0x38;
	[tilespmem:$0x1C280] =	vst v63  }
0x3d: {  	_ =	swait.ge [sflag:s9], $0x8000  }
0x3e: {  	[sflag:s9] =	ssyncset.done $0x0  }
0x3f: {  	[sflag:s9] =	ssyncadd.s32 $0xFFFF8000  }
0x40: {  	v3 =	vld [tilespmem:$0x0];
	_ =	sdelay $0x4  }
0x41: {  	v4 =	vshll.u32 v3, $0x3  }
0x42: {  	v3 =	vand.u32 $0x7, v3;
	v4 =	vand.u32 $0xFFFFFFC0, v4  }
0x43: {  	v3 =	vor.u32 v3, v4  }
0x44: {  	v4 =	vperm.xlane v3, v0;
	_ =	sdelay $0x1  }
0x45: {  	v4 =	vadd.s32 v1, v4;
	_ =	sdelay $0x4  }
0x46: {  	[hbm4b:s4+s2] =	stream.indirect_vreg.scatter [tilespmem:s12], [sflag:$0x1], $0x80, v4, vm0, $0xb8;
	[tilespmem:$0x1C280] =	vst v63  }
0x47: {  	s13 =	simm.s32 $0xA80;
	v3 =	vperm.xlane v3, v2  }
0x48: {  	[hbm4b:s5+s2] =	stream.indirect_vreg.scatter [tilespmem:s13], [sflag:$0x1], $0x80, v4, vm0, $0xb8;
	[tilespmem:$0x1C280] =	vst v63  }
0x49: {  	s14 =	simm.s32 $0x1280;
	v3 =	vadd.s32 v1, v3  }
0x4a: {  	[hbm4b:s6+s2] =	stream.indirect_vreg.scatter [tilespmem:s14], [sflag:$0x1], $0x80, v4, vm0, $0xb8;
	[tilespmem:$0x1C280] =	vst v63  }
0x4b: {  	_ = 	snop  }
0x4c: {  	[hbm4b:s7+s2] =	stream.indirect_vreg.scatter [tilespmem:s15], [sflag:$0x1], $0x80, v4, vm0, $0xb8;
	[tilespmem:$0x1C280] =	vst v63  }
0x4d: {  	_ = 	snop  }
0x4e: {  	[hbm4b:s4+s2] =	stream.indirect_vreg.scatter [tilespmem:s16], [sflag:$0x1], $0x80, v3, vm0, $0xb8;
	[tilespmem:$0x1C280] =	vst v63  }
0x4f: {  	_ = 	snop  }
0x50: {  	[hbm4b:s5+s2] =	stream.indirect_vreg.scatter [tilespmem:s17], [sflag:$0x1], $0x80, v3, vm0, $0xb8;
	[tilespmem:$0x1C280] =	vst v63  }
0x51: {  	_ = 	snop  }
0x52: {  	[hbm4b:s6+s2] =	stream.indirect_vreg.scatter [tilespmem:s18], [sflag:$0x1], $0x80, v3, vm0, $0xb8;
	[tilespmem:$0x1C280] =	vst v63  }
0x53: {  	_ = 	snop  }
0x54: {  	[hbm4b:s7+s2] =	stream.indirect_vreg.scatter [tilespmem:s19], [sflag:$0x1], $0x80, v3, vm0, $0xb8;
	[tilespmem:$0x1C280] =	vst v63  }
0x55: {  	v3 =	vld [tilespmem:$0x10];
	_ =	sdelay $0x4  }
0x56: {  	v57 =	vshll.u32 v3, $0x3  }
0x57: {  	v3 =	vand.u32 $0x7, v3;
	v4 =	vand.u32 $0xFFFFFFC0, v57  }
0x58: {  	v3 =	vor.u32 v3, v4  }
0x59: {  	v4 =	vperm.xlane v3, v0;
	_ =	sdelay $0x1  }
0x5a: {  	v4 =	vadd.s32 v1, v4;
	_ =	sdelay $0x4  }
0x5b: {  	[hbm4b:s4+s2] =	stream.indirect_vreg.scatter [tilespmem:s20], [sflag:$0x1], $0x80, v4, vm0, $0xb8;
	[tilespmem:$0x1C280] =	vst v63  }
0x5c: {  	v3 =	vperm.xlane v3, v2  }
0x5d: {  	[hbm4b:s5+s2] =	stream.indirect_vreg.scatter [tilespmem:s21], [sflag:$0x1], $0x80, v4, vm0, $0xb8;
	[tilespmem:$0x1C280] =	vst v63  }
0x5e: {  	v3 =	vadd.s32 v1, v3  }
0x5f: {  	[hbm4b:s6+s2] =	stream.indirect_vreg.scatter [tilespmem:s22], [sflag:$0x1], $0x80, v4, vm0, $0xb8;
	[tilespmem:$0x1C280] =	vst v63  }
0x60: {  	_ = 	snop  }
0x61: {  	[hbm4b:s7+s2] =	stream.indirect_vreg.scatter [tilespmem:s23], [sflag:$0x1], $0x80, v4, vm0, $0xb8;
	[tilespmem:$0x1C280] =	vst v63  }
0x62: {  	_ = 	snop  }
0x63: {  	[hbm4b:s4+s2] =	stream.indirect_vreg.scatter [tilespmem:s24], [sflag:$0x1], $0x80, v3, vm0, $0xb8;
	[tilespmem:$0x1C280] =	vst v63  }
0x64: {  	_ = 	snop  }
0x65: {  	[hbm4b:s5+s2] =	stream.indirect_vreg.scatter [tilespmem:s25], [sflag:$0x1], $0x80, v3, vm0, $0xb8;
	[tilespmem:$0x1C280] =	vst v63  }
0x66: {  	_ = 	snop  }
0x67: {  	[hbm4b:s6+s2] =	stream.indirect_vreg.scatter [tilespmem:s26], [sflag:$0x1], $0x80, v3, vm0, $0xb8;
	[tilespmem:$0x1C280] =	vst v63  }
0x68: {  	_ = 	snop  }
0x69: {  	[hbm4b:s7+s2] =	stream.indirect_vreg.scatter [tilespmem:s28], [sflag:$0x1], $0x80, v3, vm0, $0xb8;
	[tilespmem:$0x1C280] =	vst v63  }
0x6a: {  	s11 =	rddreg [dreg:$0x8]  }
0x6b: {  	[tilespmem:s29], [sflag:$0x5] =	stream.linear.gather [hbm4b:s11+s2], $0x8000, $0x38;
	[tilespmem:$0x1C280] =	vst v63  }
0x6c: {  	_ =	swait.ge [sflag:s9], $0x8000  }
0x6d: {  	[sflag:s9] =	ssyncset.done $0x0  }
0x6e: {  	[sflag:s9] =	ssyncadd.s32 $0xFFFF8000  }
0x6f: {  	v3 =	vld [tilespmem:$0x80];
	_ =	sdelay $0x4  }
0x70: {  	v58 =	vshll.u32 v3, $0x3  }
0x71: {  	v3 =	vand.u32 $0x7, v3;
	v4 =	vand.u32 $0xFFFFFFC0, v58  }
0x72: {  	v3 =	vor.u32 v3, v4  }
0x73: {  	v4 =	vperm.xlane v3, v0;
	_ =	sdelay $0x1  }
0x74: {  	v4 =	vadd.s32 v1, v4;
	_ =	sdelay $0x4  }
0x75: {  	[hbm4b:s4+s2] =	stream.indirect_vreg.scatter [tilespmem:s29], [sflag:$0x2], $0x80, v4, vm0, $0xb8;
	[tilespmem:$0x1C280] =	vst v63  }
0x76: {  	s10 =	rddreg [dreg:$0xc];
	v3 =	vperm.xlane v3, v2  }
0x77: {  	[hbm4b:s5+s2] =	stream.indirect_vreg.scatter [tilespmem:s10], [sflag:$0x2], $0x80, v4, vm0, $0xb8;
	[tilespmem:$0x1C280] =	vst v63  }
0x78: {  	s11 =	rddreg [dreg:$0xd];
	v3 =	vadd.s32 v1, v3  }
0x79: {  	[hbm4b:s6+s2] =	stream.indirect_vreg.scatter [tilespmem:s11], [sflag:$0x2], $0x80, v4, vm0, $0xb8;
	[tilespmem:$0x1C280] =	vst v63  }
0x7a: {  	s10 =	rddreg [dreg:$0xe]  }
0x7b: {  	[hbm4b:s7+s2] =	stream.indirect_vreg.scatter [tilespmem:s10], [sflag:$0x2], $0x80, v4, vm0, $0xb8;
	[tilespmem:$0x1C280] =	vst v63  }
0x7c: {  	s11 =	rddreg [dreg:$0xf]  }
0x7d: {  	[hbm4b:s4+s2] =	stream.indirect_vreg.scatter [tilespmem:s11], [sflag:$0x2], $0x80, v3, vm0, $0xb8;
	[tilespmem:$0x1C280] =	vst v63  }
0x7e: {  	s10 =	rddreg [dreg:$0x10]  }
0x7f: {  	[hbm4b:s5+s2] =	stream.indirect_vreg.scatter [tilespmem:s10], [sflag:$0x2], $0x80, v3, vm0, $0xb8;
	[tilespmem:$0x1C280] =	vst v63  }
0x80: {  	s11 =	rddreg [dreg:$0x11]  }
0x81: {  	[hbm4b:s6+s2] =	stream.indirect_vreg.scatter [tilespmem:s11], [sflag:$0x2], $0x80, v3, vm0, $0xb8;
	[tilespmem:$0x1C280] =	vst v63  }
0x82: {  	s10 =	rddreg [dreg:$0x12]  }
0x83: {  	[hbm4b:s7+s2] =	stream.indirect_vreg.scatter [tilespmem:s10], [sflag:$0x2], $0x80, v3, vm0, $0xb8;
	[tilespmem:$0x1C280] =	vst v63  }
0x84: {  	v3 =	vld [tilespmem:$0x90];
	_ =	sdelay $0x4  }
0x85: {  	v59 =	vshll.u32 v3, $0x3  }
0x86: {  	v3 =	vand.u32 $0x7, v3;
	v4 =	vand.u32 $0xFFFFFFC0, v59  }
0x87: {  	v3 =	vor.u32 v3, v4  }
0x88: {  	v4 =	vperm.xlane v3, v0;
	_ =	sdelay $0x1  }
0x89: {  	v4 =	vadd.s32 v1, v4;
	_ =	sdelay $0x3  }
0x8a: {  	s10 =	rddreg [dreg:$0x13]  }
0x8b: {  	[hbm4b:s4+s2] =	stream.indirect_vreg.scatter [tilespmem:s10], [sflag:$0x2], $0x80, v4, vm0, $0xb8;
	[tilespmem:$0x1C280] =	vst v63  }
0x8c: {  	s11 =	rddreg [dreg:$0x14];
	v3 =	vperm.xlane v3, v2  }
0x8d: {  	[hbm4b:s5+s2] =	stream.indirect_vreg.scatter [tilespmem:s11], [sflag:$0x2], $0x80, v4, vm0, $0xb8;
	[tilespmem:$0x1C280] =	vst v63  }
0x8e: {  	v3 =	vadd.s32 v1, v3;
	s10 =	rddreg [dreg:$0x15]  }
0x8f: {  	[hbm4b:s6+s2] =	stream.indirect_vreg.scatter [tilespmem:s10], [sflag:$0x2], $0x80, v4, vm0, $0xb8;
	[tilespmem:$0x1C280] =	vst v63  }
0x90: {  	s11 =	rddreg [dreg:$0x16]  }
0x91: {  	[hbm4b:s7+s2] =	stream.indirect_vreg.scatter [tilespmem:s11], [sflag:$0x2], $0x80, v4, vm0, $0xb8;
	[tilespmem:$0x1C280] =	vst v63  }
0x92: {  	s10 =	rddreg [dreg:$0x17]  }
0x93: {  	[hbm4b:s4+s2] =	stream.indirect_vreg.scatter [tilespmem:s10], [sflag:$0x2], $0x80, v3, vm0, $0xb8;
	[tilespmem:$0x1C280] =	vst v63  }
0x94: {  	s11 =	rddreg [dreg:$0x18]  }
0x95: {  	[hbm4b:s5+s2] =	stream.indirect_vreg.scatter [tilespmem:s11], [sflag:$0x2], $0x80, v3, vm0, $0xb8;
	[tilespmem:$0x1C280] =	vst v63  }
0x96: {  	s10 =	rddreg [dreg:$0x19]  }
0x97: {  	[hbm4b:s6+s2] =	stream.indirect_vreg.scatter [tilespmem:s10], [sflag:$0x2], $0x80, v3, vm0, $0xb8;
	[tilespmem:$0x1C280] =	vst v63  }
0x98: {  	s11 =	rddreg [dreg:$0x1a]  }
0x99: {  	[hbm4b:s7+s2] =	stream.indirect_vreg.scatter [tilespmem:s11], [sflag:$0x2], $0x80, v3, vm0, $0xb8;
	[tilespmem:$0x1C280] =	vst v63  }
0x9a: {  	s10 =	rddreg [dreg:$0x9]  }
0x9b: {  	[tilespmem:s30], [sflag:$0x5] =	stream.linear.gather [hbm4b:s10+s2], $0x8000, $0x38;
	[tilespmem:$0x1C280] =	vst v63  }
0x9c: {  	_ =	swait.ge [sflag:s9], $0x8000  }
0x9d: {  	[sflag:s9] =	ssyncset.done $0x0  }
0x9e: {  	[sflag:s9] =	ssyncadd.s32 $0xFFFF8000  }
0x9f: {  	v3 =	vld [tilespmem:$0x100];
	_ =	sdelay $0x4  }
0xa0: {  	v60 =	vshll.u32 v3, $0x3  }
0xa1: {  	v3 =	vand.u32 $0x7, v3;
	v4 =	vand.u32 $0xFFFFFFC0, v60  }
0xa2: {  	v3 =	vor.u32 v3, v4  }
0xa3: {  	v4 =	vperm.xlane v3, v0;
	_ =	sdelay $0x1  }
0xa4: {  	v4 =	vadd.s32 v1, v4;
	_ =	sdelay $0x3  }
0xa5: {  	s10 =	rddreg [dreg:$0x1b]  }
0xa6: {  	[hbm4b:s4+s2] =	stream.indirect_vreg.scatter [tilespmem:s30], [sflag:$0x3], $0x80, v4, vm0, $0xb8;
	[tilespmem:$0x1C280] =	vst v63  }
0xa7: {  	s11 =	rddreg [dreg:$0x1c];
	v3 =	vperm.xlane v3, v2  }
0xa8: {  	[hbm4b:s5+s2] =	stream.indirect_vreg.scatter [tilespmem:s10], [sflag:$0x3], $0x80, v4, vm0, $0xb8;
	[tilespmem:$0x1C280] =	vst v63  }
0xa9: {  	v3 =	vadd.s32 v1, v3;
	s10 =	rddreg [dreg:$0x1d]  }
0xaa: {  	[hbm4b:s6+s2] =	stream.indirect_vreg.scatter [tilespmem:s11], [sflag:$0x3], $0x80, v4, vm0, $0xb8;
	[tilespmem:$0x1C280] =	vst v63  }
0xab: {  	s11 =	rddreg [dreg:$0x1e]  }
0xac: {  	[hbm4b:s7+s2] =	stream.indirect_vreg.scatter [tilespmem:s10], [sflag:$0x3], $0x80, v4, vm0, $0xb8;
	[tilespmem:$0x1C280] =	vst v63  }
0xad: {  	s10 =	rddreg [dreg:$0x1f]  }
0xae: {  	[hbm4b:s4+s2] =	stream.indirect_vreg.scatter [tilespmem:s11], [sflag:$0x3], $0x80, v3, vm0, $0xb8;
	[tilespmem:$0x1C280] =	vst v63  }
0xaf: {  	s11 =	sld [smem:$0x7F4]  }
0xb0: {  	[hbm4b:s5+s2] =	stream.indirect_vreg.scatter [tilespmem:s10], [sflag:$0x3], $0x80, v3, vm0, $0xb8;
	[tilespmem:$0x1C280] =	vst v63  }
0xb1: {  	s10 =	sld [smem:$0x7F5]  }
0xb2: {  	[hbm4b:s6+s2] =	stream.indirect_vreg.scatter [tilespmem:s11], [sflag:$0x3], $0x80, v3, vm0, $0xb8;
	[tilespmem:$0x1C280] =	vst v63  }
0xb3: {  	_ = 	snop  }
0xb4: {  	[hbm4b:s7+s2] =	stream.indirect_vreg.scatter [tilespmem:s10], [sflag:$0x3], $0x80, v3, vm0, $0xb8;
	[tilespmem:$0x1C280] =	vst v63  }
0xb5: {  	v3 =	vld [tilespmem:$0x110];
	_ =	sdelay $0x4  }
0xb6: {  	v61 =	vshll.u32 v3, $0x3  }
0xb7: {  	v3 =	vand.u32 $0x7, v3;
	v4 =	vand.u32 $0xFFFFFFC0, v61  }
0xb8: {  	v3 =	vor.u32 v3, v4  }
0xb9: {  	v4 =	vperm.xlane v3, v0;
	_ =	sdelay $0x1  }
0xba: {  	v4 =	vadd.s32 v1, v4;
	_ =	sdelay $0x1  }
0xbb: {  	s10 =	sld [smem:$0x7F6];
	_ =	sdelay $0x1  }
0xbc: {  	s11 =	sld [smem:$0x7F7]  }
0xbd: {  	[hbm4b:s4+s2] =	stream.indirect_vreg.scatter [tilespmem:s10], [sflag:$0x3], $0x80, v4, vm0, $0xb8;
	[tilespmem:$0x1C280] =	vst v63  }
0xbe: {  	v3 =	vperm.xlane v3, v2;
	s10 =	sld [smem:$0x7F8]  }
0xbf: {  	[hbm4b:s5+s2] =	stream.indirect_vreg.scatter [tilespmem:s11], [sflag:$0x3], $0x80, v4, vm0, $0xb8;
	[tilespmem:$0x1C280] =	vst v63  }
0xc0: {  	v3 =	vadd.s32 v1, v3;
	s11 =	sld [smem:$0x7F9]  }
0xc1: {  	[hbm4b:s6+s2] =	stream.indirect_vreg.scatter [tilespmem:s10], [sflag:$0x3], $0x80, v4, vm0, $0xb8;
	[tilespmem:$0x1C280] =	vst v63  }
0xc2: {  	s10 =	sld [smem:$0x7FA]  }
0xc3: {  	[hbm4b:s7+s2] =	stream.indirect_vreg.scatter [tilespmem:s11], [sflag:$0x3], $0x80, v4, vm0, $0xb8;
	[tilespmem:$0x1C280] =	vst v63  }
0xc4: {  	s11 =	sld [smem:$0x7FB]  }
0xc5: {  	[hbm4b:s4+s2] =	stream.indirect_vreg.scatter [tilespmem:s10], [sflag:$0x3], $0x80, v3, vm0, $0xb8;
	[tilespmem:$0x1C280] =	vst v63  }
0xc6: {  	s10 =	sld [smem:$0x7FC]  }
0xc7: {  	[hbm4b:s5+s2] =	stream.indirect_vreg.scatter [tilespmem:s11], [sflag:$0x3], $0x80, v3, vm0, $0xb8;
	[tilespmem:$0x1C280] =	vst v63  }
0xc8: {  	s11 =	sld [smem:$0x7FD]  }
0xc9: {  	[hbm4b:s6+s2] =	stream.indirect_vreg.scatter [tilespmem:s10], [sflag:$0x3], $0x80, v3, vm0, $0xb8;
	[tilespmem:$0x1C280] =	vst v63  }
0xca: {  	_ = 	snop  }
0xcb: {  	[hbm4b:s7+s2] =	stream.indirect_vreg.scatter [tilespmem:s11], [sflag:$0x3], $0x80, v3, vm0, $0xb8;
	[tilespmem:$0x1C280] =	vst v63  }
0xcc: {  	_ =	swait.ge [sflag:s31], $0x8000  }
0xcd: {  	[sflag:s31] =	ssyncset.done $0x0  }
0xce: {  	s11 =	rddreg [dreg:$0xa];
	[sflag:s31] =	ssyncadd.s32 $0xFFFF8000  }
0xcf: {  	[tilespmem:s12], [sflag:$0x5] =	stream.linear.gather [hbm4b:s11+s2], $0x8000, $0x38;
	[tilespmem:$0x1C280] =	vst v63  }
0xd0: {  	_ =	swait.ge [sflag:s9], $0x8000  }
0xd1: {  	[sflag:s9] =	ssyncset.done $0x0  }
0xd2: {  	[sflag:s9] =	ssyncadd.s32 $0xFFFF8000  }
0xd3: {  	v3 =	vld [tilespmem:$0x180];
	_ =	sdelay $0x4  }
0xd4: {  	v62 =	vshll.u32 v3, $0x3  }
0xd5: {  	v3 =	vand.u32 $0x7, v3;
	v4 =	vand.u32 $0xFFFFFFC0, v62  }
0xd6: {  	v3 =	vor.u32 v3, v4  }
0xd7: {  	v4 =	vperm.xlane v3, v0;
	_ =	sdelay $0x1  }
0xd8: {  	v4 =	vadd.s32 v1, v4;
	_ =	sdelay $0x4  }
0xd9: {  	[hbm4b:s4+s2] =	stream.indirect_vreg.scatter [tilespmem:s12], [sflag:$0x1], $0x80, v4, vm0, $0xb8;
	[tilespmem:$0x1C280] =	vst v63  }
0xda: {  	v3 =	vperm.xlane v3, v2  }
0xdb: {  	[hbm4b:s5+s2] =	stream.indirect_vreg.scatter [tilespmem:s13], [sflag:$0x1], $0x80, v4, vm0, $0xb8;
	[tilespmem:$0x1C280] =	vst v63  }
0xdc: {  	v3 =	vadd.s32 v1, v3  }
0xdd: {  	[hbm4b:s6+s2] =	stream.indirect_vreg.scatter [tilespmem:s14], [sflag:$0x1], $0x80, v4, vm0, $0xb8;
	[tilespmem:$0x1C280] =	vst v63  }
0xde: {  	_ = 	snop  }
0xdf: {  	[hbm4b:s7+s2] =	stream.indirect_vreg.scatter [tilespmem:s15], [sflag:$0x1], $0x80, v4, vm0, $0xb8;
	[tilespmem:$0x1C280] =	vst v63  }
0xe0: {  	_ = 	snop  }
0xe1: {  	[hbm4b:s4+s2] =	stream.indirect_vreg.scatter [tilespmem:s16], [sflag:$0x1], $0x80, v3, vm0, $0xb8;
	[tilespmem:$0x1C280] =	vst v63  }
0xe2: {  	_ = 	snop  }
0xe3: {  	[hbm4b:s5+s2] =	stream.indirect_vreg.scatter [tilespmem:s17], [sflag:$0x1], $0x80, v3, vm0, $0xb8;
	[tilespmem:$0x1C280] =	vst v63  }
0xe4: {  	_ = 	snop  }
0xe5: {  	[hbm4b:s6+s2] =	stream.indirect_vreg.scatter [tilespmem:s18], [sflag:$0x1], $0x80, v3, vm0, $0xb8;
	[tilespmem:$0x1C280] =	vst v63  }
0xe6: {  	_ = 	snop  }
0xe7: {  	[hbm4b:s7+s2] =	stream.indirect_vreg.scatter [tilespmem:s19], [sflag:$0x1], $0x80, v3, vm0, $0xb8;
	[tilespmem:$0x1C280] =	vst v63  }
0xe8: {  	v3 =	vld [tilespmem:$0x190];
	_ =	sdelay $0x4  }
0xe9: {  	v63 =	vshll.u32 v3, $0x3  }
0xea: {  	v3 =	vand.u32 $0x7, v3;
	v4 =	vand.u32 $0xFFFFFFC0, v63  }
0xeb: {  	v3 =	vor.u32 v3, v4  }
0xec: {  	v4 =	vperm.xlane v3, v0;
	_ =	sdelay $0x1  }
0xed: {  	v4 =	vadd.s32 v1, v4;
	_ =	sdelay $0x4  }
0xee: {  	[hbm4b:s4+s2] =	stream.indirect_vreg.scatter [tilespmem:s20], [sflag:$0x1], $0x80, v4, vm0, $0xb8;
	[tilespmem:$0x1C280] =	vst v63  }
0xef: {  	v3 =	vperm.xlane v3, v2  }
0xf0: {  	[hbm4b:s5+s2] =	stream.indirect_vreg.scatter [tilespmem:s21], [sflag:$0x1], $0x80, v4, vm0, $0xb8;
	[tilespmem:$0x1C280] =	vst v63  }
0xf1: {  	v3 =	vadd.s32 v1, v3  }
0xf2: {  	[hbm4b:s6+s2] =	stream.indirect_vreg.scatter [tilespmem:s22], [sflag:$0x1], $0x80, v4, vm0, $0xb8;
	[tilespmem:$0x1C280] =	vst v63  }
0xf3: {  	_ = 	snop  }
0xf4: {  	[hbm4b:s7+s2] =	stream.indirect_vreg.scatter [tilespmem:s23], [sflag:$0x1], $0x80, v4, vm0, $0xb8;
	[tilespmem:$0x1C280] =	vst v63  }
0xf5: {  	_ = 	snop  }
0xf6: {  	[hbm4b:s4+s2] =	stream.indirect_vreg.scatter [tilespmem:s24], [sflag:$0x1], $0x80, v3, vm0, $0xb8;
	[tilespmem:$0x1C280] =	vst v63  }
0xf7: {  	_ = 	snop  }
0xf8: {  	[hbm4b:s5+s2] =	stream.indirect_vreg.scatter [tilespmem:s25], [sflag:$0x1], $0x80, v3, vm0, $0xb8;
	[tilespmem:$0x1C280] =	vst v63  }
0xf9: {  	_ = 	snop  }
0xfa: {  	[hbm4b:s6+s2] =	stream.indirect_vreg.scatter [tilespmem:s26], [sflag:$0x1], $0x80, v3, vm0, $0xb8;
	[tilespmem:$0x1C280] =	vst v63  }
0xfb: {  	_ = 	snop  }
0xfc: {  	[hbm4b:s7+s2] =	stream.indirect_vreg.scatter [tilespmem:s28], [sflag:$0x1], $0x80, v3, vm0, $0xb8;
	[tilespmem:$0x1C280] =	vst v63  }
0xfd: {  	_ =	swait.ge [sflag:s31], $0x8000  }
0xfe: {  	[sflag:s31] =	ssyncset.done $0x0  }
0xff: {  	[sflag:s31] =	ssyncadd.s32 $0xFFFF8000  }
0x100: {  	_ =	swait.ge [sflag:s1], $0x8000  }
0x101: {  	[sflag:s1] =	ssyncset.done $0x0  }
0x102: {  	[sflag:s1] =	ssyncadd.s32 $0xFFFF8000  }
0x103: {  	p0 =	sne.s32 s8, $0x1;
	_ =	swait.ge [sflag:s0], $0x8000  }
.Ltmp0:
0x104: {  	[sflag:s0] =	ssyncset.done $0x0;
	(pc) =	sbr.rel @p0 .LBB2_1-.Ltmp0, $4  }
0x105: {  	[sflag:s0] =	ssyncadd.s32 $0xFFFF8000  }
0x106: {  	_ =	swait.ge [sflag:s3], $0x4000  }
0x107: {  	[sflag:s3] =	ssyncset.done $0x0  }
0x108: {  	s8 =	sadd.s32 $0xFFFFFFFF, s8;
	[sflag:s3] =	ssyncadd.s32 $0xFFFFC000  }
0x109: {  	_ =	sfence.sel $0x180000  }
0x10a: {  	[bflag:$0x0] =	sbarrier.arrive $0xFFFF  }
0x10b: {  	_ =	strace $0x90000047  }
0x10c: {  	s0 =	stileid.u32;
	[bflag:$0x2] =	sbarrier.arrive $0xFFFF  }
0x10d: {  	p0 =	sne.s32 s0, $0x0;
	s0 =	rddreg [dreg:$0x3]  }
0x10e: {  	s0 =	sadd.s32 @!p0 $0x100000, s0  }
0x10f: {  	[sflag:s0] =	ssyncadd.tile.s32 @!p0 $0x1;
	_ =	shalt  }
.Lfunc_end2:
_tile_overlayer_lowered:
.L_overlay_start_2:
0x110: {  	(tag) =	ssettag $0x2  }
0x111: {  	s0 =	rddreg [dreg:$0x0];
	s2 =	stileid.u32  }
0x112: {  	s1 =	rddreg [dreg:$0x1];
	p0 =	sne.s32 s2, $0x0  }
0x113: {  	s3 =	rddreg [dreg:$0x2];
	[bflag:$0x3] =	sbarrier.arrive $0xFFFF;
	s2 =	simm.s32 @!p0 $0x1C05  }
0x114: {  	[timem:s3], [sflag:s2] =	dma.local @!p0 [hbm:s0], s1  }
0x115: {  	s0 =	simm.s32 @!p0 $0x5  }
0x116: {  	_ =	swait.ge @!p0 [sflag:s0], s1  }
0x117: {  	s1 =	ssub.s32 @!p0 $0x0, s1;
	[sflag:s0] =	ssyncset.done @!p0 $0x0  }
0x118: {  	[sflag:s0] =	ssyncadd.s32 @!p0 s1  }
0x119: {  	[bflag:$0x3] =	sbarrier.arrive $0xFFFF  }
0x11a: {  	_ =	shalt  }

// kernel: kernel.9.cloned.1.call-start
scs
__scs_entry_jumppad:
0x0: {  	(pc) =	sbr.rel $0x88, $3  }
0x1: {  	(tag) =	ssettag $0x0;
	lr =	simm.s32 $0x1  }
0x2: {  	[smem:$0x3F99] =	sst lr;
	_ =	strace $0xD0000000  }
0x3: {  	_ = 	snop  }
0x4: {  	_ = 	snop  }
0x5: {  	_ = 	snop  }
0x6: {  	_ = 	snop  }
0x7: {  	_ = 	snop  }
__scs_overlays_trampoline_lowered:
0x8: {  	[smem:$0x3FA8] =	sst s0  }
0x9: {  	[smem:$0x3FA9] =	sst s1  }
0xa: {  	[smem:$0x3FAA] =	sst s2  }
0xb: {  	[smem:$0x3FAB] =	sst s3  }
0xc: {  	[smem:$0x3FAC] =	sst s4  }
0xd: {  	[smem:$0x3FAD] =	sst s5  }
0xe: {  	[smem:$0x3FAE] =	sst s6  }
0xf: {  	[smem:$0x3FAF] =	sst s7  }
0x10: {  	[smem:$0x3FB0] =	sst s8  }
0x11: {  	[smem:$0x3FB1] =	sst s9;
	s0 =	simm.s32 @!p0 $0x0  }
0x12: {  	s1 =	sld [smem:$0x3F97];
	s0 =	simm.s32 @p0 $0x1  }
0x13: {  	[smem:$0x3FB2] =	sst s0;
	s0 =	simm.s32 @!p1 $0x0  }
0x14: {  	s2 =	sld [smem:$0x3F96];
	s0 =	simm.s32 @p1 $0x1  }
0x15: {  	[smem:$0x3FB3] =	sst s0;
	s0 =	simm.s32 @!p2 $0x0  }
0x16: {  	s3 =	sld [smem:$0x3FDB];
	s0 =	simm.s32 @p2 $0x1  }
0x17: {  	s4 =	simm.s32 $0x1BF5;
	[smem:$0x3FB5] =	sst s0  }
0x18: {  	s0 =	sld [smem:$0x3F98];
	_ =	swait.ge [sflag:s4], $0x0  }
0x19: {  	s7 =	sld [smem:$0x3F99]  }
0x1a: {  	s8 =	sadd.s32 $0xFFFFE003, lr  }
0x1b: {  	s9 =	sadd.s32 $0xFFFFFEF7, lr;
	s5 =	simm.s32 $0xFFFFFFFF;
	p2 =	slt.u32 s8, $0xFFFFF086  }
0x1c: {  	p1 =	slt.u32 s9, $0xF7A;
	s5 =	simm.s32 @!p2 $0x0  }
0x1d: {  	s5 =	simm.s32 @p1 $0x1;
	p0 =	seq.s32 s7, s2  }
0x1e: {  	s7 =	smul.u32 @!p0 $0xF7A, s2;
	p2 =	seq.s32 @!p0 s5, $0x0  }
0x1f: {  	s9 =	smul.u32 $0xF7A, s1;
	s8 =	simm.s32 @!p0 $0x1BF5;
	p2 =	por !p2, p0  }
0x20: {  	[sflag:s8] =	ssyncset.s32 @!p0 $0xFFFFF086;
	s6 =	sadd.s32 @!p0 s3, s7;
	s7 =	simm.s32 @!p0 $0x108  }
0x21: {  	s3 =	sadd.s32 s3, s9;
	s6 =	sadd.s32 @!p0 $0x88, s6;
	s7 =	simm.s32 @p2 $0x1082  }
0x22: {  	[simem:s7], [sflag:s8] =	dma.local @!p0 [hbm:s6], $0xF7A  }
0x23: {  	s9 =	sor.u32 $0xD0000000, s2;
	s6 =	simm.s32 $0x108;
	_ =	swait.ge @!p0 [sflag:s8], $0x0  }
0x24: {  	s3 =	sadd.s32 $0x88, s3;
	s6 =	simm.s32 @!p1 $0x1082;
	[sflag:s4] =	ssyncset.s32 $0xFFFFF086  }
0x25: {  	[simem:s6], [sflag:s4] =	dma.local [hbm:s3], $0xF7A  }
0x26: {  	[smem:$0x3F99] =	sst s1;
	(tag) =	ssettag s2;
	_ =	strace s9  }
0x27: {  	s1 =	sld [smem:$0x3FA9]  }
0x28: {  	s2 =	sld [smem:$0x3FAA]  }
0x29: {  	s4 =	sld [smem:$0x3FAC]  }
0x2a: {  	p0 =	seq.s32 s5, $0x0;
	s5 =	sld [smem:$0x3FAD]  }
0x2b: {  	s6 =	sld [smem:$0x3FAE]  }
0x2c: {  	s7 =	sld [smem:$0x3FAF]  }
0x2d: {  	s3 =	simm.s32 $0x108;
	s8 =	sld [smem:$0x3FB0]  }
0x2e: {  	s3 =	simm.s32 @!p0 $0x1082;
	s9 =	sld [smem:$0x3FB1]  }
0x2f: {  	lr =	sadd.s32 s0, s3;
	s0 =	sld [smem:$0x3FA8]  }
0x30: {  	s3 =	sld [smem:$0x3FAB]  }
0x31: {  	[smem:$0x3FB4] =	sst s10  }
0x32: {  	s10 =	sld [smem:$0x3FB2];
	_ =	sdelay $0x3  }
0x33: {  	p0 =	seq.s32 s10, $0x1;
	s10 =	sld [smem:$0x3FB4];
	_ =	sdelay $0x3  }
0x34: {  	[smem:$0x3FB4] =	sst s10  }
0x35: {  	s10 =	sld [smem:$0x3FB3];
	_ =	sdelay $0x3  }
0x36: {  	p1 =	seq.s32 s10, $0x1;
	s10 =	sld [smem:$0x3FB4];
	_ =	sdelay $0x3  }
0x37: {  	[smem:$0x3FB4] =	sst s10  }
0x38: {  	s10 =	sld [smem:$0x3FB5]  }
0x39: {  	_ = 	snop;
	(pc) =	sbr.ind lr, $3  }
0x3a: {  	_ = 	snop  }
0x3b: {  	_ = 	snop  }
0x3c: {  	p2 =	seq.s32 s10, $0x1;
	s10 =	sld [smem:$0x3FB4]  }
0x3d: {  	_ =	shalt  }
0x3e: {  	_ =	shalt  }
0x3f: {  	_ =	shalt  }
0x40: {  	_ =	shalt  }
0x41: {  	_ =	shalt  }
0x42: {  	_ =	shalt  }
0x43: {  	_ =	shalt  }
0x44: {  	_ =	shalt  }
0x45: {  	_ =	shalt  }
0x46: {  	_ =	shalt  }
0x47: {  	_ =	shalt  }
0x48: {  	_ =	shalt  }
0x49: {  	_ =	shalt  }
0x4a: {  	_ =	shalt  }
0x4b: {  	_ =	shalt  }
0x4c: {  	_ =	shalt  }
0x4d: {  	_ =	shalt  }
0x4e: {  	_ =	shalt  }
0x4f: {  	_ =	shalt  }
0x50: {  	_ =	shalt  }
0x51: {  	_ =	shalt  }
0x52: {  	_ =	shalt  }
0x53: {  	_ =	shalt  }
0x54: {  	_ =	shalt  }
0x55: {  	_ =	shalt  }
0x56: {  	_ =	shalt  }
0x57: {  	_ =	shalt  }
0x58: {  	_ =	shalt  }
0x59: {  	_ =	shalt  }
0x5a: {  	_ =	shalt  }
0x5b: {  	_ =	shalt  }
0x5c: {  	_ =	shalt  }
0x5d: {  	_ =	shalt  }
0x5e: {  	_ =	shalt  }
0x5f: {  	_ =	shalt  }
0x60: {  	_ =	shalt  }
0x61: {  	_ =	shalt  }
0x62: {  	_ =	shalt  }
0x63: {  	_ =	shalt  }
0x64: {  	_ =	shalt  }
0x65: {  	_ =	shalt  }
0x66: {  	_ =	shalt  }
0x67: {  	_ =	shalt  }
0x68: {  	_ =	shalt  }
0x69: {  	_ =	shalt  }
0x6a: {  	_ =	shalt  }
0x6b: {  	_ =	shalt  }
0x6c: {  	_ =	shalt  }
0x6d: {  	_ =	shalt  }
0x6e: {  	_ =	shalt  }
0x6f: {  	_ =	shalt  }
0x70: {  	_ =	shalt  }
0x71: {  	_ =	shalt  }
0x72: {  	_ =	shalt  }
0x73: {  	_ =	shalt  }
0x74: {  	_ =	shalt  }
0x75: {  	_ =	shalt  }
0x76: {  	_ =	shalt  }
0x77: {  	_ =	shalt  }
0x78: {  	_ =	shalt  }
0x79: {  	_ =	shalt  }
0x7a: {  	_ =	shalt  }
0x7b: {  	_ =	shalt  }
0x7c: {  	_ =	shalt  }
0x7d: {  	_ =	shalt  }
0x7e: {  	_ =	shalt  }
0x7f: {  	_ =	shalt  }
0x80: {  	_ =	shalt  }
0x81: {  	_ =	shalt  }
0x82: {  	_ =	shalt  }
0x83: {  	_ =	shalt  }
0x84: {  	_ =	shalt  }
0x85: {  	_ =	shalt  }
0x86: {  	_ =	shalt  }
0x87: {  	_ =	shalt  }
.Lfunc_end0:
.L_simem_size_0:
called_computation.1_lowered:
.L_overlay_start_0:
0x88: {  	s2 =	sld [smem:$0x3FD9]  }
0x89: {  	s3 =	sld [smem:$0x3FFE];
	_ =	sdelay $0x1  }
0x8a: {  	s1 =	srdreg.scid  }
0x8b: {  	s0 =	sand.u32 $0x1, s1  }
0x8c: {  	s16 =	sshll.u32 s0, $0xA;
	s2 =	sadd.s32 s3, s2  }
0x8d: {  	s2 =	sadd.s32 s2, s16  }
0x8e: {  	[smem:$0x3FC0] =	sst s2  }
0x8f: {  	_ = 	snop  }
0x90: {  	(tm) =	ssettm $0x1  }
0x91: {  	s17 =	sld [smem:$0x3FFB];
	_ =	sdelay $0x3  }
0x92: {  	_ =	strace s17  }
0x93: {  	s2 =	sld [smem:$0x3FFC];
	_ =	sdelay $0x3  }
0x94: {  	_ =	strace s2  }
0x95: {  	s2 =	sld [smem:$0x3FFD];
	_ =	sdelay $0x3  }
0x96: {  	_ =	strace s2  }
0x97: {  	_ =	strace $0x8FFFFFFF  }
0x98: {  	s18 =	sld [smem:$0x3FDB];
	_ =	sdelay $0x1  }
0x99: {  	s19 =	simm.s32 $_scs_section_size  }
0x9a: {  	s4 =	simm.s32 $_size__tile_overlayer_lowered;
	s5 =	simm.s32 $_tile_overlayer_lowered  }
0x9b: {  	s22 =	simm.s32 $0x1BFF;
	s21 =	sshll.u32 s5, $0x1;
	s2 =	sadd.s32 s19, s18  }
0x9c: {  	s6 =	simm.s32 $0x0;
	s20 =	sshll.u32 s4, $0x1;
	s4 =	sadd.s32 s21, s2  }
0x9d: {  	[timem:s6], [sflag:s22] =	dma.local [hbm:s4], s20  }
0x9e: {  	_ =	swait.ge [sflag:s22], s20  }
0x9f: {  	s3 =	ssub.s32 $0x0, s20;
	[sflag:s22] =	ssyncset.done $0x0  }
0xa0: {  	[sflag:s22] =	ssyncadd.s32 s3;
	_ =	sdelay $0x1  }
0xa1: {  	s23 =	simm.s32 $0x1B8B  }
0xa2: {  	_ =	swait.ge [sflag:s23], $0x1  }
0xa3: {  	[sflag:s23] =	ssyncset.done $0x0  }
0xa4: {  	s25 =	simm.s32 $0x1B8E;
	s24 =	sld [smem:$0x3FFE];
	[sflag:s23] =	ssyncadd.s32 $0xFFFFFFFF  }
0xa5: {  	s26 =	simm.s32 $execute0_lowered;
	[smem:$0x3FD2] =	sst s25  }
0xa6: {  	s4 =	sshll.u32 s26, $0x1;
	_ =	strace $0x80000049;
	[dreg:$0x1] =	wrdreg $0xFFFFFFFF  }
0xa7: {  	s28 =	simm.s32 $_size_execute0_lowered;
	s2 =	sadd.s32 s2, s4;
	[dreg:$0x0] =	wrdreg $0x0  }
0xa8: {  	s4 =	sshll.u32 s28, $0x1;
	[dreg:$0x2] =	wrdreg s2  }
0xa9: {  	[dreg:$0x3] =	wrdreg s4  }
0xaa: {  	[dreg:$0x4] =	wrdreg $0xC0  }
0xab: {  	_ =	task [dreg:s6], $0x5FFFF  }
0xac: {  	[dreg:$0x1] =	wrdreg $0xFFFFFFFF  }
0xad: {  	[dreg:$0x0] =	wrdreg $0x60  }
0xae: {  	[dreg:$0x2] =	wrdreg s24  }
0xaf: {  	[dreg:$0x3] =	wrdreg $0x9  }
0xb0: {  	_ =	task.clear_ibuf [dreg:s6], $0x4FFFF;
	_ =	strace $0x90000049  }
0xb1: {  	s29 =	simm.s32 $0x9;
	_ =	strace $0x8000004B  }
0xb2: {  	_ =	swait.ge [sflag:s29], $0x1  }
0xb3: {  	[sflag:s29] =	ssyncadd.s32 $0xFFFFFFFF  }
0xb4: {  	_ =	strace $0x9000004B  }
0xb5: {  	_ =	sfence  }
0xb6: {  	s30 =	sld [smem:$0x0];
	_ =	sdelay $0x2  }
0xb7: {  	s31 =	sshll.u32 s1, $0xD;
	s1 =	sshrl.u32 s1, $0x2  }
0xb8: {  	s3 =	sand.u32 $0x4000, s31;
	s1 =	sadd.s32 s1, s30  }
0xb9: {  	s0 =	sor.u32 s3, s0;
	s1 =	sshll.u32 s1, $0x11  }
0xba: {  	s0 =	sor.u32 s1, s0  }
0xbb: {  	s0 =	sadd.s32 $0x8F2B, s0  }
0xbc: {  	[sflag:s0] =	ssyncadd.remote.s32 $0x1  }
0xbd: {  	_ =	sfence.sel $0xFFFF  }
0xbe: {  	[dreg:$0x0] =	wrdreg $0xFFFFFFFF;
	(pc) =	sbr.abs _section_cstart, $3  }
0xbf: {  	[dreg:$0x1] =	wrdreg $0xFFFFFFFF  }
0xc0: {  	_ =	task.clear_ibuf [dreg:s6], $0x2FFFF;
	_ =	strace $0x9FFFFFFF  }
0xc1: {  	(tm) =	ssettm $0x7FFFFFFF  }
tec
execute0_lowered:
.L_overlay_start_1:
0x0: {  	(tag) =	ssettag $0x1  }
0x1: {  	s1 =	srdreg.scid;
	s0 =	stileid.u32  }
0x2: {  	s8 =	rddreg [dreg:$0x0];
	s6 =	sand.u32 $0x1, s1;
	s30 =	sshll.u32 s0, $0x1  }
0x3: {  	s2 =	simm.s32 $0x0;
	s1 =	rddreg [dreg:$0x1];
	s9 =	sor.u32 s6, s30  }
0x4: {  	s7 =	simm.s32 $0x1;
	[smem:$0x7FF] =	sst s2;
	s3 =	sshll.u32 s9, $0x4  }
0x5: {  	s5 =	sadd.s32 $0x3800, s8;
	_ =	strace $0x8000004A;
	s3 =	sadd.s32 s3, s8  }
0x6: {  	s10 =	ssub.s32 $0x2, s6;
	s4 =	sadd.s32 $0x3600, s3;
	s3 =	simm.s32 $0x2  }
0x7: {  	[tilespmem:s2], [sflag:$0x2] =	stream.linear.gather [hbm4b:s4+s2], $0x80, $0x38;
	[tilespmem:$0x4080] =	vst v63  }
0x8: {  	s6 =	simm.s32 $0x80;
	s11 =	sshrl.u32 s10, $0x1;
	_ =	swait.ge [sflag:s3], $0x80  }
0x9: {  	s9 =	sshll.u32 s9, $0xB;
	s31 =	ssub.s32 s10, s11;
	[sflag:s3] =	ssyncset.done $0x0  }
0xa: {  	s8 =	sadd.s32 s9, s8;
	s9 =	smax.u32 s31, $0x1;
	[sflag:s3] =	ssyncadd.s32 $0xFFFFFF80  }
0xb: {  	[tilespmem:s6], [sflag:$0x1] =	stream.indirect.gather [hbm4b:s5+s6], $0x80, s2, s6, $0xb8;
	[tilespmem:$0x4080] =	vst v63  }
0xc: {  	p0 =	sne.s32 s9, $0x1;
	_ =	swait.ge [sflag:s7], $0x4000  }
.Ltmp0:
0xd: {  	[sflag:s7] =	ssyncset.done $0x0;
	(pc) =	sbr.rel @!p0 .LBB2_2-.Ltmp0, $4  }
0xe: {  	s8 =	sadd.s32 $0x33800, s8;
	[sflag:s7] =	ssyncadd.s32 $0xFFFFC000  }
0xf: {  	[hbm4b:s8+s2] =	stream.linear.scatter [tilespmem:s6], [sflag:$0x2], $0x4000, $0x38;
	[tilespmem:$0x4080] =	vst v63  }
0x10: {  	_ =	swait.ge [sflag:s3], $0x4000  }
0x11: {  	s9 =	sadd.s32 $0xFFFFFFFF, s9;
	[sflag:s3] =	ssyncset.done $0x0  }
.LBB2_1:
0x12: {  	p0 =	sne.s32 s9, $0x1;
	s9 =	sadd.s32 $0xFFFFFFFF, s9;
	[sflag:s3] =	ssyncadd.s32 $0xFFFFC000  }
0x13: {  	[tilespmem:s2], [sflag:$0x2] =	stream.linear.gather [hbm4b:s4+s2], $0x80, $0x38;
	[tilespmem:$0x4080] =	vst v63  }
0x14: {  	_ =	swait.ge [sflag:s3], $0x80  }
0x15: {  	[sflag:s3] =	ssyncset.done $0x0  }
0x16: {  	[sflag:s3] =	ssyncadd.s32 $0xFFFFFF80  }
0x17: {  	[tilespmem:s6], [sflag:$0x1] =	stream.indirect.gather [hbm4b:s5+s6], $0x80, s2, s6, $0xb8;
	[tilespmem:$0x4080] =	vst v63  }
0x18: {  	_ =	swait.ge [sflag:s7], $0x4000  }
.Ltmp1:
0x19: {  	[sflag:s7] =	ssyncset.done $0x0;
	(pc) =	sbr.rel @p0 .LBB2_1-.Ltmp1, $4  }
0x1a: {  	[sflag:s7] =	ssyncadd.s32 $0xFFFFC000  }
0x1b: {  	[hbm4b:s8+s2] =	stream.linear.scatter [tilespmem:s6], [sflag:$0x2], $0x4000, $0x38;
	[tilespmem:$0x4080] =	vst v63  }
0x1c: {  	_ =	swait.ge [sflag:s3], $0x4000  }
0x1d: {  	[sflag:s3] =	ssyncset.done $0x0  }
.LBB2_2:
0x1e: {  	[sflag:s3] =	ssyncadd.s32 $0xFFFFC000  }
0x1f: {  	_ =	sfence.sel $0x180000  }
0x20: {  	[bflag:$0x0] =	sbarrier.arrive $0xFFFF  }
0x21: {  	p0 =	sne.s32 s0, $0x0;
	_ =	strace $0x9000004A  }
0x22: {  	s0 =	sadd.s32 @!p0 $0x100000, s1;
	[bflag:$0x2] =	sbarrier.arrive $0xFFFF  }
0x23: {  	[sflag:s0] =	ssyncadd.tile.s32 @!p0 $0x1;
	_ =	shalt  }
.Lfunc_end2:
_tile_overlayer_lowered:
.L_overlay_start_2:
0x24: {  	(tag) =	ssettag $0x2  }
0x25: {  	s0 =	rddreg [dreg:$0x0];
	s2 =	stileid.u32  }
0x26: {  	s1 =	rddreg [dreg:$0x1];
	p0 =	sne.s32 s2, $0x0  }
0x27: {  	s3 =	rddreg [dreg:$0x2];
	[bflag:$0x3] =	sbarrier.arrive $0xFFFF;
	s2 =	simm.s32 @!p0 $0x1C02  }
0x28: {  	[timem:s3], [sflag:s2] =	dma.local @!p0 [hbm:s0], s1  }
0x29: {  	s0 =	simm.s32 @!p0 $0x2  }
0x2a: {  	_ =	swait.ge @!p0 [sflag:s0], s1  }
0x2b: {  	s1 =	ssub.s32 @!p0 $0x0, s1;
	[sflag:s0] =	ssyncset.done @!p0 $0x0  }
0x2c: {  	[sflag:s0] =	ssyncadd.s32 @!p0 s1  }
0x2d: {  	[bflag:$0x3] =	sbarrier.arrive $0xFFFF  }
0x2e: {  	_ =	shalt  }

</sc_bundles>
